<compile_context>
chip_gen: v7x
topology: tpu7x:2x2x1
jax: 0.10.2.dev20260603
libtpu: 0.0.44.dev20260713+nightly
codegen_flags: <defaults>
</compile_context>

<pallas_src>
import functools

import jax
import jax.numpy as jnp
from jax import lax
from jax.experimental import pallas as pl
from jax.experimental.pallas import tpu as pltpu
from jax.experimental.pallas import tpu_sc as plsc

B = 16384
DU = 128
DS = 16
NSMALL = 1000
IDXC = 128
ROWS_2D = B // IDXC


def _sc_info():
    info = plsc.get_sparse_core_info()
    return info.num_cores, info.num_subcores


def _make_gather():
    NC, NS = _sc_info()
    NW = NC * NS
    BPW = B // NW
    RPW = BPW // IDXC
    GPW = BPW // 16
    mesh = plsc.VectorSubcoreMesh(core_axis_name="c", subcore_axis_name="s")

    @functools.partial(
        pl.kernel,
        mesh=mesh,
        out_type=[
            jax.ShapeDtypeStruct((B, 2 * DU), jnp.float32),
            jax.ShapeDtypeStruct((3 * DS, B), jnp.float32),
        ],
        scratch_types=[
            pltpu.VMEM((8, IDXC), jnp.int32),
            pltpu.VMEM((BPW // 2, DU), jnp.float32),
            pltpu.VMEM((NSMALL * DS,), jnp.float32),
            pltpu.VMEM((NSMALL * DS,), jnp.float32),
            pltpu.VMEM((NSMALL * DS,), jnp.float32),
            pltpu.VMEM((BPW,), jnp.int32),
            pltpu.VMEM((BPW,), jnp.int32),
            pltpu.VMEM((BPW,), jnp.int32),
            pltpu.VMEM((3 * DS, BPW), jnp.float32),
            pltpu.SemaphoreType.DMA,
            pltpu.SemaphoreType.DMA,
        ],
        compiler_params=pltpu.CompilerParams(needs_layout_passes=False),
    )
    def gather(uidx, iidx, tidx, cidx, sidx, utab, itab, ttab, ctab, stab,
               ui_out, sm_out,
               idx_v, big_v, tab_vt, tab_vc, tab_vs,
               sidx_vt, sidx_vc, sidx_vs,
               smT, sem, sem2):
        wid = lax.axis_index("s") * NC + lax.axis_index("c")
        base = wid * BPW
        r0 = (wid // 2) * 8
        j0 = (wid % 2) * RPW

        stage = [
            pltpu.async_copy(ttab, tab_vt, sem2),
            pltpu.async_copy(ctab, tab_vc, sem2),
            pltpu.async_copy(stab, tab_vs, sem2),
            pltpu.async_copy(tidx.at[pl.ds(base, BPW)], sidx_vt, sem2),
            pltpu.async_copy(cidx.at[pl.ds(base, BPW)], sidx_vc, sem2),
            pltpu.async_copy(sidx.at[pl.ds(base, BPW)], sidx_vs, sem2),
        ]

        def big_gather(idx_hbm, tab_hbm, col):
            pltpu.sync_copy(idx_hbm.at[pl.ds(r0, 8)], idx_v)
            half = RPW // 2
            for h in range(2):
                cps = [
                    pltpu.async_copy(
                        tab_hbm.at[idx_v.at[j0 + h * half + j]],
                        big_v.at[pl.ds(j * IDXC, IDXC)],
                        sem,
                    )
                    for j in range(half)
                ]
                for cp in cps:
                    cp.wait()
                pltpu.sync_copy(
                    big_v,
                    ui_out.at[pl.ds(base + h * (BPW // 2), BPW // 2),
                              pl.ds(col, DU)])

        big_gather(uidx, utab, 0)
        big_gather(iidx, itab, DU)

        for cp in stage:
            cp.wait()

        def small_body(g, _):
            for r, (tab_v, sidx_v) in enumerate(((tab_vt, sidx_vt),
                                                 (tab_vc, sidx_vc),
                                                 (tab_vs, sidx_vs))):
                idx16 = sidx_v[pl.ds(g * 16, 16)]
                flat = idx16 * DS
                for k in range(DS):
                    vals = plsc.load_gather(tab_v, [flat + k])
                    smT[r * DS + k, pl.ds(g * 16, 16)] = vals
            return 0

        lax.fori_loop(0, GPW, small_body, 0)

        pltpu.sync_copy(smT, sm_out.at[:, pl.ds(base, BPW)])

    return gather


_gather = None


def _get_gather():
    global _gather
    if _gather is None:
        _gather = _make_gather()
    return _gather


BBA = 1024
BBB = 4096


def _mlp_a_body(image, w1a, b1, out_ref):
    f32 = jnp.float32
    bf16 = jnp.bfloat16
    acc = jnp.dot(image[...].astype(bf16), w1a[...],
                  preferred_element_type=f32)
    out_ref[...] = (acc + b1[...]).astype(bf16)


def _mlp_a(image, w1a, b1):
    def whole(a):
        shp = a.shape
        return pl.BlockSpec(shp, lambda g: tuple(0 for _ in shp))

    in_specs = [
        pl.BlockSpec((BBA, 2048), lambda g: (g, 0)),
        whole(w1a), whole(b1),
    ]
    return pl.pallas_call(
        _mlp_a_body,
        grid=(B // BBA,),
        in_specs=in_specs,
        out_specs=pl.BlockSpec((BBA, 256), lambda g: (g, 0)),
        out_shape=jax.ShapeDtypeStruct((B, 256), jnp.bfloat16),
        compiler_params=pltpu.CompilerParams(
            dimension_semantics=("arbitrary",),
        ),
    )(image, w1a, b1)


_SMALL_DN = (((0,), (0,)), ((), ()))


def _mlp_b_body(part, ui, sm, text, w1, w2, b2, w3, b3, out_ref):
    f32 = jnp.float32
    bf16 = jnp.bfloat16
    acc = part[...].astype(f32)
    acc = acc + jnp.dot(ui[...].astype(bf16), w1[pl.ds(0, 256), :],
                        preferred_element_type=f32)
    acc = acc + lax.dot_general(sm[...].astype(bf16), w1[pl.ds(256, 48), :],
                                _SMALL_DN, preferred_element_type=f32)
    acc = acc + jnp.dot(text[...].astype(bf16), w1[pl.ds(304, 384), :],
                        preferred_element_type=f32)
    h1 = jnp.maximum(acc, 0.0).astype(bf16)
    h2 = jnp.maximum(
        jnp.dot(h1, w2[...], preferred_element_type=f32) + b2[...], 0.0)
    out = jnp.dot(h2.astype(bf16), w3[...], preferred_element_type=f32)
    out_ref[...] = out + b3[0, 0]


def _mlp_b(part, ui, sm, text, w1, w2, b2, w3, b3):
    def whole(a):
        shp = a.shape
        return pl.BlockSpec(shp, lambda g: tuple(0 for _ in shp))

    w1b = pl.BlockSpec((688, 256), lambda g: (0, 0))
    in_specs = [
        pl.BlockSpec((BBB, 256), lambda g: (g, 0)),
        pl.BlockSpec((BBB, 2 * DU), lambda g: (g, 0)),
        pl.BlockSpec((3 * DS, BBB), lambda g: (0, g)),
        pl.BlockSpec((BBB, 384), lambda g: (g, 0)),
        w1b, whole(w2), whole(b2), whole(w3), whole(b3),
    ]
    return pl.pallas_call(
        _mlp_b_body,
        grid=(B // BBB,),
        in_specs=in_specs,
        out_specs=pl.BlockSpec((BBB, 1), lambda g: (g, 0)),
        out_shape=jax.ShapeDtypeStruct((B, 1), jnp.float32),
        compiler_params=pltpu.CompilerParams(
            dimension_semantics=("arbitrary",),
        ),
    )(part, ui, sm, text, w1, w2, b2, w3, b3)


def kernel(user, item, type_idx, color_idx, section_idx, text_vec, image_vec,
           user_table, item_table, type_table, color_table, section_table,
           W1, b1, W2, b2, W3, b3):
    ui = user.astype(jnp.int32).reshape(ROWS_2D, IDXC)
    ii = item.astype(jnp.int32).reshape(ROWS_2D, IDXC)
    ti = type_idx.astype(jnp.int32)
    ci = color_idx.astype(jnp.int32)
    si = section_idx.astype(jnp.int32)

    ui_rows, sm_rows = _get_gather()(
        ui, ii, ti, ci, si, user_table, item_table,
        type_table.reshape(NSMALL * DS),
        color_table.reshape(NSMALL * DS),
        section_table.reshape(NSMALL * DS))

    bf16 = jnp.bfloat16
    part = _mlp_a(image_vec, W1[688:].astype(bf16), b1.reshape(1, 256))
    out = _mlp_b(
        part, ui_rows, sm_rows, text_vec, W1[:688].astype(bf16),
        W2.astype(bf16), b2.reshape(1, 128),
        W3.reshape(128, 1).astype(bf16), b3.reshape(1, 1))
    return out.reshape(B)

# --- scband reference (transcript-rebuilt; emitter-appended) ---
"""Pipeline reference for scband-hybrid-ncf-12360915877914 (READ-ONLY COPY).

The authoritative reference and input builder live on the scoring server;
editing this copy changes nothing except your own understanding.
"""

import jax, jax.numpy as jnp
import numpy as np

B = 16384
NUM_USERS = 1000000
NUM_ITEMS = 100000
NUM_TYPES = 1000
NUM_COLORS = 1000
NUM_SECTIONS = 1000

def setup_inputs(seed: int = 0) -> dict:
    key = jax.random.key(seed)
    ks = jax.random.split(key, 20)
    user = jax.random.randint(ks[0], (B,), 0, NUM_USERS)
    item = jax.random.randint(ks[1], (B,), 0, NUM_ITEMS)
    type_idx = jax.random.randint(ks[2], (B,), 0, NUM_TYPES)
    color_idx = jax.random.randint(ks[3], (B,), 0, NUM_COLORS)
    section_idx = jax.random.randint(ks[4], (B,), 0, NUM_SECTIONS)
    text_vec = jax.random.normal(ks[5], (B, 384), dtype=jnp.float32)
    image_vec = jax.random.normal(ks[6], (B, 2048), dtype=jnp.float32)
    user_table = jax.random.normal(ks[7], (NUM_USERS, 128), dtype=jnp.float32) * 0.02
    item_table = jax.random.normal(ks[8], (NUM_ITEMS, 128), dtype=jnp.float32) * 0.02
    type_table = jax.random.normal(ks[9], (NUM_TYPES, 16), dtype=jnp.float32) * 0.02
    color_table = jax.random.normal(ks[10], (NUM_COLORS, 16), dtype=jnp.float32) * 0.02
    section_table = jax.random.normal(ks[11], (NUM_SECTIONS, 16), dtype=jnp.float32) * 0.02
    W1 = jax.random.normal(ks[12], (2736, 256), dtype=jnp.float32) * (1.0 / np.sqrt(2736))
    b1 = jnp.zeros((256,), dtype=jnp.float32)
    W2 = jax.random.normal(ks[13], (256, 128), dtype=jnp.float32) * (1.0 / np.sqrt(256))
    b2 = jnp.zeros((128,), dtype=jnp.float32)
    W3 = jax.random.normal(ks[14], (128, 1), dtype=jnp.float32) * (1.0 / np.sqrt(128))
    b3 = jnp.zeros((1,), dtype=jnp.float32)
    return {
        'user': user, 'item': item, 'type_idx': type_idx,
        'color_idx': color_idx, 'section_idx': section_idx,
        'text_vec': text_vec, 'image_vec': image_vec,
        'user_table': user_table, 'item_table': item_table,
        'type_table': type_table, 'color_table': color_table,
        'section_table': section_table,
        'W1': W1, 'b1': b1, 'W2': W2, 'b2': b2, 'W3': W3, 'b3': b3,
    }

def reference(user, item, type_idx, color_idx, section_idx, text_vec, image_vec,
              user_table, item_table, type_table, color_table, section_table,
              W1, b1, W2, b2, W3, b3):
    u = jnp.take(user_table, user, axis=0)
    i = jnp.take(item_table, item, axis=0)
    t = jnp.take(type_table, type_idx, axis=0)
    c = jnp.take(color_table, color_idx, axis=0)
    s = jnp.take(section_table, section_idx, axis=0)
    x = jnp.concatenate([u, i, t, c, s, text_vec, image_vec], axis=1)
    h = jax.nn.relu(x @ W1 + b1)
    h = jax.nn.relu(h @ W2 + b2)
    out = h @ W3 + b3
    return jnp.squeeze(out)

if __name__ == "__main__":
    import jax
    _d = setup_inputs()
    print(jax.jit(kernel)(*tuple(_d.values())))

</pallas_src>

<mosaic_0001>
#map = affine_map<(d0, d1) -> (0, 0)>
#map1 = affine_map<(d0, d1) -> (0)>
module attributes {stable_mosaic.version = 14 : i64} {
  func.func @gather(%arg0: i32, %arg1: i32, %arg2: memref<128x128xi32, #tpu.memory_space<hbm>>, %arg3: memref<128x128xi32, #tpu.memory_space<hbm>>, %arg4: memref<16384xi32, #tpu.memory_space<hbm>>, %arg5: memref<16384xi32, #tpu.memory_space<hbm>>, %arg6: memref<16384xi32, #tpu.memory_space<hbm>>, %arg7: memref<1000000x128xf32, #tpu.memory_space<hbm>>, %arg8: memref<100000x128xf32, #tpu.memory_space<hbm>>, %arg9: memref<16000xf32, #tpu.memory_space<hbm>>, %arg10: memref<16000xf32, #tpu.memory_space<hbm>>, %arg11: memref<16000xf32, #tpu.memory_space<hbm>>, %arg12: memref<16384x256xf32, #tpu.memory_space<hbm>>, %arg13: memref<48x16384xf32, #tpu.memory_space<hbm>>, %arg14: memref<8x128xi32, #tpu.memory_space<vmem>>, %arg15: memref<256x128xf32, #tpu.memory_space<vmem>>, %arg16: memref<16000xf32, #tpu.memory_space<vmem>>, %arg17: memref<16000xf32, #tpu.memory_space<vmem>>, %arg18: memref<16000xf32, #tpu.memory_space<vmem>>, %arg19: memref<512xi32, #tpu.memory_space<vmem>>, %arg20: memref<512xi32, #tpu.memory_space<vmem>>, %arg21: memref<512xi32, #tpu.memory_space<vmem>>, %arg22: memref<48x512xf32, #tpu.memory_space<vmem>>, %arg23: memref<!tpu.dma_semaphore, #tpu.memory_space<semaphore_mem>>, %arg24: memref<!tpu.dma_semaphore, #tpu.memory_space<semaphore_mem>>) attributes {dimension_semantics = [#tpu.dimension_semantics<core_parallel>, #tpu.dimension_semantics<subcore_parallel>], iteration_bounds = array<i64: 2, 16>, scalar_prefetch = 0 : i64, scratch_operands = 11 : i64, tpu.core_type = #tpu.core_type<sc_vector_subcore>, window_params = [{transform_indices = #map}, {transform_indices = #map}, {transform_indices = #map1}, {transform_indices = #map1}, {transform_indices = #map1}, {transform_indices = #map}, {transform_indices = #map}, {transform_indices = #map1}, {transform_indices = #map1}, {transform_indices = #map1}, {transform_indices = #map}, {transform_indices = #map}]} {
    %mul3A = arith.constant 2 : i32
    %mul3A_0 = arith.muli %arg1, %mul3A : i32
    %add3A = arith.addi %mul3A_0, %arg0 : i32
    %mul3A_1 = arith.constant 512 : i32
    %mul3A_2 = arith.muli %add3A, %mul3A_1 : i32
    %jit3A = arith.constant 2 : i32
    %div3A = arith.divsi %add3A, %jit3A : i32
    %sign3A = arith.constant 0 : i32
    %sign3A_3 = arith.cmpi sgt, %add3A, %sign3A : i32
    %sign3A_4 = arith.extui %sign3A_3 : i1 to i32
    %sign3A_5 = arith.constant 0 : i32
    %sign3A_6 = arith.cmpi slt, %add3A, %sign3A_5 : i32
    %sign3A_7 = arith.extui %sign3A_6 : i1 to i32
    %sign3A_8 = arith.subi %sign3A_4, %sign3A_7 : i32
    %sign3A_9 = arith.constant 0 : i32
    %sign3A_10 = arith.cmpi sgt, %jit3A, %sign3A_9 : i32
    %sign3A_11 = arith.extui %sign3A_10 : i1 to i32
    %sign3A_12 = arith.constant 0 : i32
    %sign3A_13 = arith.cmpi slt, %jit3A, %sign3A_12 : i32
    %sign3A_14 = arith.extui %sign3A_13 : i1 to i32
    %sign3A_15 = arith.subi %sign3A_11, %sign3A_14 : i32
    %ne3A = arith.cmpi ne, %sign3A_8, %sign3A_15 : i32
    %rem3A = arith.remsi %add3A, %jit3A : i32
    %ne3A_16 = arith.constant 0 : i32
    %ne3A_17 = arith.cmpi ne, %rem3A, %ne3A_16 : i32
    %and3A = arith.andi %ne3A, %ne3A_17 : i1
    %sub3A = arith.constant 1 : i32
    %sub3A_18 = arith.subi %div3A, %sub3A : i32
    %select_n3A = arith.select %and3A, %sub3A_18, %div3A : i32
    %mul3A_19 = arith.constant 8 : i32
    %mul3A_20 = arith.muli %select_n3A, %mul3A_19 : i32
    %jit3A_21 = arith.constant 2 : i32
    %eq3A = arith.constant 0 : i32
    %eq3A_22 = arith.cmpi eq, %jit3A_21, %eq3A : i32
    %jit3A_23 = arith.constant 1 : i32
    %select_n3A_24 = arith.select %eq3A_22, %jit3A_23, %jit3A_21 : i32
    %rem3A_25 = arith.remsi %add3A, %select_n3A_24 : i32
    %ne3A_26 = arith.constant 0 : i32
    %ne3A_27 = arith.cmpi ne, %rem3A_25, %ne3A_26 : i32
    %lt3A = arith.constant 0 : i32
    %lt3A_28 = arith.cmpi slt, %rem3A_25, %lt3A : i32
    %lt3A_29 = arith.constant 0 : i32
    %lt3A_30 = arith.cmpi slt, %select_n3A_24, %lt3A_29 : i32
    %ne3A_31 = arith.xori %lt3A_28, %lt3A_30 : i1
    %and3A_32 = arith.andi %ne3A_31, %ne3A_27 : i1
    %add3A_33 = arith.addi %rem3A_25, %select_n3A_24 : i32
    %select_n3A_34 = arith.select %and3A_32, %add3A_33, %rem3A_25 : i32
    %mul3A_35 = arith.constant 4 : i32
    %mul3A_36 = arith.muli %select_n3A_34, %mul3A_35 : i32
    tpu.enqueue_dma source(%arg9 : memref<16000xf32, #tpu.memory_space<hbm>>) target(%arg16 : memref<16000xf32, #tpu.memory_space<vmem>>) target_semaphore(%arg24 : memref<!tpu.dma_semaphore, #tpu.memory_space<semaphore_mem>>)
    tpu.enqueue_dma source(%arg10 : memref<16000xf32, #tpu.memory_space<hbm>>) target(%arg17 : memref<16000xf32, #tpu.memory_space<vmem>>) target_semaphore(%arg24 : memref<!tpu.dma_semaphore, #tpu.memory_space<semaphore_mem>>)
    tpu.enqueue_dma source(%arg11 : memref<16000xf32, #tpu.memory_space<hbm>>) target(%arg18 : memref<16000xf32, #tpu.memory_space<vmem>>) target_semaphore(%arg24 : memref<!tpu.dma_semaphore, #tpu.memory_space<semaphore_mem>>)
    %dma_start3A = tpu.memref_slice %arg4[%mul3A_2] : memref<16384xi32, #tpu.memory_space<hbm>> -> memref<512xi32, #tpu.memory_space<hbm>>
    %dma_start3A_37 = tpu.memref_slice %arg4[%mul3A_2] : memref<16384xi32, #tpu.memory_space<hbm>> -> memref<512xi32, #tpu.memory_space<hbm>>
    tpu.enqueue_dma source(%dma_start3A_37 : memref<512xi32, #tpu.memory_space<hbm>>) target(%arg19 : memref<512xi32, #tpu.memory_space<vmem>>) target_semaphore(%arg24 : memref<!tpu.dma_semaphore, #tpu.memory_space<semaphore_mem>>)
    %dma_start3A_38 = tpu.memref_slice %arg5[%mul3A_2] : memref<16384xi32, #tpu.memory_space<hbm>> -> memref<512xi32, #tpu.memory_space<hbm>>
    %dma_start3A_39 = tpu.memref_slice %arg5[%mul3A_2] : memref<16384xi32, #tpu.memory_space<hbm>> -> memref<512xi32, #tpu.memory_space<hbm>>
    tpu.enqueue_dma source(%dma_start3A_39 : memref<512xi32, #tpu.memory_space<hbm>>) target(%arg20 : memref<512xi32, #tpu.memory_space<vmem>>) target_semaphore(%arg24 : memref<!tpu.dma_semaphore, #tpu.memory_space<semaphore_mem>>)
    %dma_start3A_40 = tpu.memref_slice %arg6[%mul3A_2] : memref<16384xi32, #tpu.memory_space<hbm>> -> memref<512xi32, #tpu.memory_space<hbm>>
    %dma_start3A_41 = tpu.memref_slice %arg6[%mul3A_2] : memref<16384xi32, #tpu.memory_space<hbm>> -> memref<512xi32, #tpu.memory_space<hbm>>
    tpu.enqueue_dma source(%dma_start3A_41 : memref<512xi32, #tpu.memory_space<hbm>>) target(%arg21 : memref<512xi32, #tpu.memory_space<vmem>>) target_semaphore(%arg24 : memref<!tpu.dma_semaphore, #tpu.memory_space<semaphore_mem>>)
    "tpu.region"() ({
      %run_scoped3A = tpu.sem_alloc : memref<!tpu.dma_semaphore, #tpu.memory_space<semaphore_mem>>
      %dma_start3A_237 = arith.constant 0 : i32
      %dma_start3A_238 = tpu.memref_slice %arg2[%mul3A_20, %dma_start3A_237] : memref<128x128xi32, #tpu.memory_space<hbm>> -> memref<8x128xi32, #tpu.memory_space<hbm>>
      %dma_start3A_239 = arith.constant 0 : i32
      %dma_start3A_240 = tpu.memref_slice %arg2[%mul3A_20, %dma_start3A_239] : memref<128x128xi32, #tpu.memory_space<hbm>> -> memref<8x128xi32, #tpu.memory_space<hbm>>
      tpu.enqueue_dma source(%dma_start3A_240 : memref<8x128xi32, #tpu.memory_space<hbm>>) target(%arg14 : memref<8x128xi32, #tpu.memory_space<vmem>>) target_semaphore(%run_scoped3A : memref<!tpu.dma_semaphore, #tpu.memory_space<semaphore_mem>>)
      %dma_wait3A_241 = arith.constant 0 : i32
      %dma_wait3A_242 = tpu.memref_slice %arg2[%mul3A_20, %dma_wait3A_241] : memref<128x128xi32, #tpu.memory_space<hbm>> -> memref<8x128xi32, #tpu.memory_space<hbm>>
      %dma_wait3A_243 = arith.constant 0 : i32
      %dma_wait3A_244 = tpu.memref_slice %arg2[%mul3A_20, %dma_wait3A_243] : memref<128x128xi32, #tpu.memory_space<hbm>> -> memref<8x128xi32, #tpu.memory_space<hbm>>
      tpu.wait_dma2 semaphore(%run_scoped3A : memref<!tpu.dma_semaphore, #tpu.memory_space<semaphore_mem>>) src(%dma_wait3A_244 : memref<8x128xi32, #tpu.memory_space<hbm>>) dst(%arg14 : memref<8x128xi32, #tpu.memory_space<vmem>>)
      tpu.yield
    }) : () -> ()
    %add3A_42 = arith.constant 0 : i32
    %add3A_43 = arith.addi %mul3A_36, %add3A_42 : i32
    %add3A_44 = arith.constant 0 : i32
    %add3A_45 = arith.addi %add3A_43, %add3A_44 : i32
    %dma_start3A_46 = arith.constant 0 : i32
    %dma_start3A_47 = arith.constant 0 : i32
    %dma_start3A_48 = tpu.memref_slice %arg15[%dma_start3A_46, %dma_start3A_47] : memref<256x128xf32, #tpu.memory_space<vmem>> -> memref<128x128xf32, #tpu.memory_space<vmem>>
    %dma_start3A_49 = arith.constant 0 : i32
    %dma_start3A_50 = tpu.memref_slice %arg14[%add3A_45, %dma_start3A_49] : memref<8x128xi32, #tpu.memory_space<vmem>> -> memref<1x128xi32, #tpu.memory_space<vmem>>
    %dma_start3A_51 = tpu.memref_squeeze %dma_start3A_50 : memref<1x128xi32, #tpu.memory_space<vmem>> -> memref<128xi32, #tpu.memory_space<vmem>>
    %dma_start3A_52 = arith.constant 0 : i32
    %dma_start3A_53 = arith.constant 0 : i32
    %dma_start3A_54 = tpu.memref_slice %arg7[%dma_start3A_52, %dma_start3A_53] : memref<1000000x128xf32, #tpu.memory_space<hbm>> -> memref<1000000x128xf32, #tpu.memory_space<hbm>>
    tpu.enqueue_indirect_dma source(%dma_start3A_54 : memref<1000000x128xf32, #tpu.memory_space<hbm>>) target(%dma_start3A_48 : memref<128x128xf32, #tpu.memory_space<vmem>>) offsets(%dma_start3A_51 : memref<128xi32, #tpu.memory_space<vmem>>) semaphore(%arg23 : memref<!tpu.dma_semaphore, #tpu.memory_space<semaphore_mem>>)
    %add3A_55 = arith.constant 0 : i32
    %add3A_56 = arith.addi %mul3A_36, %add3A_55 : i32
    %add3A_57 = arith.constant 1 : i32
    %add3A_58 = arith.addi %add3A_56, %add3A_57 : i32
    %dma_start3A_59 = arith.constant 128 : i32
    %dma_start3A_60 = arith.constant 0 : i32
    %dma_start3A_61 = tpu.memref_slice %arg15[%dma_start3A_59, %dma_start3A_60] : memref<256x128xf32, #tpu.memory_space<vmem>> -> memref<128x128xf32, #tpu.memory_space<vmem>>
    %dma_start3A_62 = arith.constant 0 : i32
    %dma_start3A_63 = tpu.memref_slice %arg14[%add3A_58, %dma_start3A_62] : memref<8x128xi32, #tpu.memory_space<vmem>> -> memref<1x128xi32, #tpu.memory_space<vmem>>
    %dma_start3A_64 = tpu.memref_squeeze %dma_start3A_63 : memref<1x128xi32, #tpu.memory_space<vmem>> -> memref<128xi32, #tpu.memory_space<vmem>>
    %dma_start3A_65 = arith.constant 0 : i32
    %dma_start3A_66 = arith.constant 0 : i32
    %dma_start3A_67 = tpu.memref_slice %arg7[%dma_start3A_65, %dma_start3A_66] : memref<1000000x128xf32, #tpu.memory_space<hbm>> -> memref<1000000x128xf32, #tpu.memory_space<hbm>>
    tpu.enqueue_indirect_dma source(%dma_start3A_67 : memref<1000000x128xf32, #tpu.memory_space<hbm>>) target(%dma_start3A_61 : memref<128x128xf32, #tpu.memory_space<vmem>>) offsets(%dma_start3A_64 : memref<128xi32, #tpu.memory_space<vmem>>) semaphore(%arg23 : memref<!tpu.dma_semaphore, #tpu.memory_space<semaphore_mem>>)
    %dma_wait3A = arith.constant 0 : i32
    %dma_wait3A_68 = arith.constant 0 : i32
    %dma_wait3A_69 = tpu.memref_slice %arg15[%dma_wait3A, %dma_wait3A_68] : memref<256x128xf32, #tpu.memory_space<vmem>> -> memref<128x128xf32, #tpu.memory_space<vmem>>
    %dma_wait3A_70 = arith.constant 0 : i32
    %dma_wait3A_71 = tpu.memref_slice %arg14[%add3A_45, %dma_wait3A_70] : memref<8x128xi32, #tpu.memory_space<vmem>> -> memref<1x128xi32, #tpu.memory_space<vmem>>
    %dma_wait3A_72 = tpu.memref_squeeze %dma_wait3A_71 : memref<1x128xi32, #tpu.memory_space<vmem>> -> memref<128xi32, #tpu.memory_space<vmem>>
    %dma_wait3A_73 = arith.constant 0 : i32
    %dma_wait3A_74 = arith.constant 0 : i32
    %dma_wait3A_75 = tpu.memref_slice %arg7[%dma_wait3A_73, %dma_wait3A_74] : memref<1000000x128xf32, #tpu.memory_space<hbm>> -> memref<1000000x128xf32, #tpu.memory_space<hbm>>
    tpu.wait_indirect_dma semaphore(%arg23 : memref<!tpu.dma_semaphore, #tpu.memory_space<semaphore_mem>>) src(%dma_wait3A_75 : memref<1000000x128xf32, #tpu.memory_space<hbm>>) dst(%dma_wait3A_69 : memref<128x128xf32, #tpu.memory_space<vmem>>)
    %dma_wait3A_76 = arith.constant 128 : i32
    %dma_wait3A_77 = arith.constant 0 : i32
    %dma_wait3A_78 = tpu.memref_slice %arg15[%dma_wait3A_76, %dma_wait3A_77] : memref<256x128xf32, #tpu.memory_space<vmem>> -> memref<128x128xf32, #tpu.memory_space<vmem>>
    %dma_wait3A_79 = arith.constant 0 : i32
    %dma_wait3A_80 = tpu.memref_slice %arg14[%add3A_58, %dma_wait3A_79] : memref<8x128xi32, #tpu.memory_space<vmem>> -> memref<1x128xi32, #tpu.memory_space<vmem>>
    %dma_wait3A_81 = tpu.memref_squeeze %dma_wait3A_80 : memref<1x128xi32, #tpu.memory_space<vmem>> -> memref<128xi32, #tpu.memory_space<vmem>>
    %dma_wait3A_82 = arith.constant 0 : i32
    %dma_wait3A_83 = arith.constant 0 : i32
    %dma_wait3A_84 = tpu.memref_slice %arg7[%dma_wait3A_82, %dma_wait3A_83] : memref<1000000x128xf32, #tpu.memory_space<hbm>> -> memref<1000000x128xf32, #tpu.memory_space<hbm>>
    tpu.wait_indirect_dma semaphore(%arg23 : memref<!tpu.dma_semaphore, #tpu.memory_space<semaphore_mem>>) src(%dma_wait3A_84 : memref<1000000x128xf32, #tpu.memory_space<hbm>>) dst(%dma_wait3A_78 : memref<128x128xf32, #tpu.memory_space<vmem>>)
    %add3A_85 = arith.constant 0 : i32
    %add3A_86 = arith.addi %mul3A_2, %add3A_85 : i32
    "tpu.region"() ({
      %run_scoped3A = tpu.sem_alloc : memref<!tpu.dma_semaphore, #tpu.memory_space<semaphore_mem>>
      %dma_start3A_237 = arith.constant 0 : i32
      %dma_start3A_238 = tpu.memref_slice %arg12[%add3A_86, %dma_start3A_237] : memref<16384x256xf32, #tpu.memory_space<hbm>> -> memref<256x128xf32, #tpu.memory_space<hbm>>
      %dma_start3A_239 = arith.constant 0 : i32
      %dma_start3A_240 = tpu.memref_slice %arg12[%add3A_86, %dma_start3A_239] : memref<16384x256xf32, #tpu.memory_space<hbm>> -> memref<256x128xf32, #tpu.memory_space<hbm>>
      tpu.enqueue_dma source(%arg15 : memref<256x128xf32, #tpu.memory_space<vmem>>) target(%dma_start3A_240 : memref<256x128xf32, #tpu.memory_space<hbm>>) target_semaphore(%run_scoped3A : memref<!tpu.dma_semaphore, #tpu.memory_space<semaphore_mem>>)
      %dma_wait3A_241 = arith.constant 0 : i32
      %dma_wait3A_242 = tpu.memref_slice %arg12[%add3A_86, %dma_wait3A_241] : memref<16384x256xf32, #tpu.memory_space<hbm>> -> memref<256x128xf32, #tpu.memory_space<hbm>>
      %dma_wait3A_243 = arith.constant 0 : i32
      %dma_wait3A_244 = tpu.memref_slice %arg12[%add3A_86, %dma_wait3A_243] : memref<16384x256xf32, #tpu.memory_space<hbm>> -> memref<256x128xf32, #tpu.memory_space<hbm>>
      tpu.wait_dma2 semaphore(%run_scoped3A : memref<!tpu.dma_semaphore, #tpu.memory_space<semaphore_mem>>) src(%arg15 : memref<256x128xf32, #tpu.memory_space<vmem>>) dst(%dma_wait3A_244 : memref<256x128xf32, #tpu.memory_space<hbm>>)
      tpu.yield
    }) : () -> ()
    %add3A_87 = arith.constant 2 : i32
    %add3A_88 = arith.addi %mul3A_36, %add3A_87 : i32
    %add3A_89 = arith.constant 0 : i32
    %add3A_90 = arith.addi %add3A_88, %add3A_89 : i32
    %dma_start3A_91 = arith.constant 0 : i32
    %dma_start3A_92 = arith.constant 0 : i32
    %dma_start3A_93 = tpu.memref_slice %arg15[%dma_start3A_91, %dma_start3A_92] : memref<256x128xf32, #tpu.memory_space<vmem>> -> memref<128x128xf32, #tpu.memory_space<vmem>>
    %dma_start3A_94 = arith.constant 0 : i32
    %dma_start3A_95 = tpu.memref_slice %arg14[%add3A_90, %dma_start3A_94] : memref<8x128xi32, #tpu.memory_space<vmem>> -> memref<1x128xi32, #tpu.memory_space<vmem>>
    %dma_start3A_96 = tpu.memref_squeeze %dma_start3A_95 : memref<1x128xi32, #tpu.memory_space<vmem>> -> memref<128xi32, #tpu.memory_space<vmem>>
    %dma_start3A_97 = arith.constant 0 : i32
    %dma_start3A_98 = arith.constant 0 : i32
    %dma_start3A_99 = tpu.memref_slice %arg7[%dma_start3A_97, %dma_start3A_98] : memref<1000000x128xf32, #tpu.memory_space<hbm>> -> memref<1000000x128xf32, #tpu.memory_space<hbm>>
    tpu.enqueue_indirect_dma source(%dma_start3A_99 : memref<1000000x128xf32, #tpu.memory_space<hbm>>) target(%dma_start3A_93 : memref<128x128xf32, #tpu.memory_space<vmem>>) offsets(%dma_start3A_96 : memref<128xi32, #tpu.memory_space<vmem>>) semaphore(%arg23 : memref<!tpu.dma_semaphore, #tpu.memory_space<semaphore_mem>>)
    %add3A_100 = arith.constant 2 : i32
    %add3A_101 = arith.addi %mul3A_36, %add3A_100 : i32
    %add3A_102 = arith.constant 1 : i32
    %add3A_103 = arith.addi %add3A_101, %add3A_102 : i32
    %dma_start3A_104 = arith.constant 128 : i32
    %dma_start3A_105 = arith.constant 0 : i32
    %dma_start3A_106 = tpu.memref_slice %arg15[%dma_start3A_104, %dma_start3A_105] : memref<256x128xf32, #tpu.memory_space<vmem>> -> memref<128x128xf32, #tpu.memory_space<vmem>>
    %dma_start3A_107 = arith.constant 0 : i32
    %dma_start3A_108 = tpu.memref_slice %arg14[%add3A_103, %dma_start3A_107] : memref<8x128xi32, #tpu.memory_space<vmem>> -> memref<1x128xi32, #tpu.memory_space<vmem>>
    %dma_start3A_109 = tpu.memref_squeeze %dma_start3A_108 : memref<1x128xi32, #tpu.memory_space<vmem>> -> memref<128xi32, #tpu.memory_space<vmem>>
    %dma_start3A_110 = arith.constant 0 : i32
    %dma_start3A_111 = arith.constant 0 : i32
    %dma_start3A_112 = tpu.memref_slice %arg7[%dma_start3A_110, %dma_start3A_111] : memref<1000000x128xf32, #tpu.memory_space<hbm>> -> memref<1000000x128xf32, #tpu.memory_space<hbm>>
    tpu.enqueue_indirect_dma source(%dma_start3A_112 : memref<1000000x128xf32, #tpu.memory_space<hbm>>) target(%dma_start3A_106 : memref<128x128xf32, #tpu.memory_space<vmem>>) offsets(%dma_start3A_109 : memref<128xi32, #tpu.memory_space<vmem>>) semaphore(%arg23 : memref<!tpu.dma_semaphore, #tpu.memory_space<semaphore_mem>>)
    %dma_wait3A_113 = arith.constant 0 : i32
    %dma_wait3A_114 = arith.constant 0 : i32
    %dma_wait3A_115 = tpu.memref_slice %arg15[%dma_wait3A_113, %dma_wait3A_114] : memref<256x128xf32, #tpu.memory_space<vmem>> -> memref<128x128xf32, #tpu.memory_space<vmem>>
    %dma_wait3A_116 = arith.constant 0 : i32
    %dma_wait3A_117 = tpu.memref_slice %arg14[%add3A_90, %dma_wait3A_116] : memref<8x128xi32, #tpu.memory_space<vmem>> -> memref<1x128xi32, #tpu.memory_space<vmem>>
    %dma_wait3A_118 = tpu.memref_squeeze %dma_wait3A_117 : memref<1x128xi32, #tpu.memory_space<vmem>> -> memref<128xi32, #tpu.memory_space<vmem>>
    %dma_wait3A_119 = arith.constant 0 : i32
    %dma_wait3A_120 = arith.constant 0 : i32
    %dma_wait3A_121 = tpu.memref_slice %arg7[%dma_wait3A_119, %dma_wait3A_120] : memref<1000000x128xf32, #tpu.memory_space<hbm>> -> memref<1000000x128xf32, #tpu.memory_space<hbm>>
    tpu.wait_indirect_dma semaphore(%arg23 : memref<!tpu.dma_semaphore, #tpu.memory_space<semaphore_mem>>) src(%dma_wait3A_121 : memref<1000000x128xf32, #tpu.memory_space<hbm>>) dst(%dma_wait3A_115 : memref<128x128xf32, #tpu.memory_space<vmem>>)
    %dma_wait3A_122 = arith.constant 128 : i32
    %dma_wait3A_123 = arith.constant 0 : i32
    %dma_wait3A_124 = tpu.memref_slice %arg15[%dma_wait3A_122, %dma_wait3A_123] : memref<256x128xf32, #tpu.memory_space<vmem>> -> memref<128x128xf32, #tpu.memory_space<vmem>>
    %dma_wait3A_125 = arith.constant 0 : i32
    %dma_wait3A_126 = tpu.memref_slice %arg14[%add3A_103, %dma_wait3A_125] : memref<8x128xi32, #tpu.memory_space<vmem>> -> memref<1x128xi32, #tpu.memory_space<vmem>>
    %dma_wait3A_127 = tpu.memref_squeeze %dma_wait3A_126 : memref<1x128xi32, #tpu.memory_space<vmem>> -> memref<128xi32, #tpu.memory_space<vmem>>
    %dma_wait3A_128 = arith.constant 0 : i32
    %dma_wait3A_129 = arith.constant 0 : i32
    %dma_wait3A_130 = tpu.memref_slice %arg7[%dma_wait3A_128, %dma_wait3A_129] : memref<1000000x128xf32, #tpu.memory_space<hbm>> -> memref<1000000x128xf32, #tpu.memory_space<hbm>>
    tpu.wait_indirect_dma semaphore(%arg23 : memref<!tpu.dma_semaphore, #tpu.memory_space<semaphore_mem>>) src(%dma_wait3A_130 : memref<1000000x128xf32, #tpu.memory_space<hbm>>) dst(%dma_wait3A_124 : memref<128x128xf32, #tpu.memory_space<vmem>>)
    %add3A_131 = arith.constant 256 : i32
    %add3A_132 = arith.addi %mul3A_2, %add3A_131 : i32
    "tpu.region"() ({
      %run_scoped3A = tpu.sem_alloc : memref<!tpu.dma_semaphore, #tpu.memory_space<semaphore_mem>>
      %dma_start3A_237 = arith.constant 0 : i32
      %dma_start3A_238 = tpu.memref_slice %arg12[%add3A_132, %dma_start3A_237] : memref<16384x256xf32, #tpu.memory_space<hbm>> -> memref<256x128xf32, #tpu.memory_space<hbm>>
      %dma_start3A_239 = arith.constant 0 : i32
      %dma_start3A_240 = tpu.memref_slice %arg12[%add3A_132, %dma_start3A_239] : memref<16384x256xf32, #tpu.memory_space<hbm>> -> memref<256x128xf32, #tpu.memory_space<hbm>>
      tpu.enqueue_dma source(%arg15 : memref<256x128xf32, #tpu.memory_space<vmem>>) target(%dma_start3A_240 : memref<256x128xf32, #tpu.memory_space<hbm>>) target_semaphore(%run_scoped3A : memref<!tpu.dma_semaphore, #tpu.memory_space<semaphore_mem>>)
      %dma_wait3A_241 = arith.constant 0 : i32
      %dma_wait3A_242 = tpu.memref_slice %arg12[%add3A_132, %dma_wait3A_241] : memref<16384x256xf32, #tpu.memory_space<hbm>> -> memref<256x128xf32, #tpu.memory_space<hbm>>
      %dma_wait3A_243 = arith.constant 0 : i32
      %dma_wait3A_244 = tpu.memref_slice %arg12[%add3A_132, %dma_wait3A_243] : memref<16384x256xf32, #tpu.memory_space<hbm>> -> memref<256x128xf32, #tpu.memory_space<hbm>>
      tpu.wait_dma2 semaphore(%run_scoped3A : memref<!tpu.dma_semaphore, #tpu.memory_space<semaphore_mem>>) src(%arg15 : memref<256x128xf32, #tpu.memory_space<vmem>>) dst(%dma_wait3A_244 : memref<256x128xf32, #tpu.memory_space<hbm>>)
      tpu.yield
    }) : () -> ()
    "tpu.region"() ({
      %run_scoped3A = tpu.sem_alloc : memref<!tpu.dma_semaphore, #tpu.memory_space<semaphore_mem>>
      %dma_start3A_237 = arith.constant 0 : i32
      %dma_start3A_238 = tpu.memref_slice %arg3[%mul3A_20, %dma_start3A_237] : memref<128x128xi32, #tpu.memory_space<hbm>> -> memref<8x128xi32, #tpu.memory_space<hbm>>
      %dma_start3A_239 = arith.constant 0 : i32
      %dma_start3A_240 = tpu.memref_slice %arg3[%mul3A_20, %dma_start3A_239] : memref<128x128xi32, #tpu.memory_space<hbm>> -> memref<8x128xi32, #tpu.memory_space<hbm>>
      tpu.enqueue_dma source(%dma_start3A_240 : memref<8x128xi32, #tpu.memory_space<hbm>>) target(%arg14 : memref<8x128xi32, #tpu.memory_space<vmem>>) target_semaphore(%run_scoped3A : memref<!tpu.dma_semaphore, #tpu.memory_space<semaphore_mem>>)
      %dma_wait3A_241 = arith.constant 0 : i32
      %dma_wait3A_242 = tpu.memref_slice %arg3[%mul3A_20, %dma_wait3A_241] : memref<128x128xi32, #tpu.memory_space<hbm>> -> memref<8x128xi32, #tpu.memory_space<hbm>>
      %dma_wait3A_243 = arith.constant 0 : i32
      %dma_wait3A_244 = tpu.memref_slice %arg3[%mul3A_20, %dma_wait3A_243] : memref<128x128xi32, #tpu.memory_space<hbm>> -> memref<8x128xi32, #tpu.memory_space<hbm>>
      tpu.wait_dma2 semaphore(%run_scoped3A : memref<!tpu.dma_semaphore, #tpu.memory_space<semaphore_mem>>) src(%dma_wait3A_244 : memref<8x128xi32, #tpu.memory_space<hbm>>) dst(%arg14 : memref<8x128xi32, #tpu.memory_space<vmem>>)
      tpu.yield
    }) : () -> ()
    %add3A_133 = arith.constant 0 : i32
    %add3A_134 = arith.addi %mul3A_36, %add3A_133 : i32
    %add3A_135 = arith.constant 0 : i32
    %add3A_136 = arith.addi %add3A_134, %add3A_135 : i32
    %dma_start3A_137 = arith.constant 0 : i32
    %dma_start3A_138 = arith.constant 0 : i32
    %dma_start3A_139 = tpu.memref_slice %arg15[%dma_start3A_137, %dma_start3A_138] : memref<256x128xf32, #tpu.memory_space<vmem>> -> memref<128x128xf32, #tpu.memory_space<vmem>>
    %dma_start3A_140 = arith.constant 0 : i32
    %dma_start3A_141 = tpu.memref_slice %arg14[%add3A_136, %dma_start3A_140] : memref<8x128xi32, #tpu.memory_space<vmem>> -> memref<1x128xi32, #tpu.memory_space<vmem>>
    %dma_start3A_142 = tpu.memref_squeeze %dma_start3A_141 : memref<1x128xi32, #tpu.memory_space<vmem>> -> memref<128xi32, #tpu.memory_space<vmem>>
    %dma_start3A_143 = arith.constant 0 : i32
    %dma_start3A_144 = arith.constant 0 : i32
    %dma_start3A_145 = tpu.memref_slice %arg8[%dma_start3A_143, %dma_start3A_144] : memref<100000x128xf32, #tpu.memory_space<hbm>> -> memref<100000x128xf32, #tpu.memory_space<hbm>>
    tpu.enqueue_indirect_dma source(%dma_start3A_145 : memref<100000x128xf32, #tpu.memory_space<hbm>>) target(%dma_start3A_139 : memref<128x128xf32, #tpu.memory_space<vmem>>) offsets(%dma_start3A_142 : memref<128xi32, #tpu.memory_space<vmem>>) semaphore(%arg23 : memref<!tpu.dma_semaphore, #tpu.memory_space<semaphore_mem>>)
    %add3A_146 = arith.constant 0 : i32
    %add3A_147 = arith.addi %mul3A_36, %add3A_146 : i32
    %add3A_148 = arith.constant 1 : i32
    %add3A_149 = arith.addi %add3A_147, %add3A_148 : i32
    %dma_start3A_150 = arith.constant 128 : i32
    %dma_start3A_151 = arith.constant 0 : i32
    %dma_start3A_152 = tpu.memref_slice %arg15[%dma_start3A_150, %dma_start3A_151] : memref<256x128xf32, #tpu.memory_space<vmem>> -> memref<128x128xf32, #tpu.memory_space<vmem>>
    %dma_start3A_153 = arith.constant 0 : i32
    %dma_start3A_154 = tpu.memref_slice %arg14[%add3A_149, %dma_start3A_153] : memref<8x128xi32, #tpu.memory_space<vmem>> -> memref<1x128xi32, #tpu.memory_space<vmem>>
    %dma_start3A_155 = tpu.memref_squeeze %dma_start3A_154 : memref<1x128xi32, #tpu.memory_space<vmem>> -> memref<128xi32, #tpu.memory_space<vmem>>
    %dma_start3A_156 = arith.constant 0 : i32
    %dma_start3A_157 = arith.constant 0 : i32
    %dma_start3A_158 = tpu.memref_slice %arg8[%dma_start3A_156, %dma_start3A_157] : memref<100000x128xf32, #tpu.memory_space<hbm>> -> memref<100000x128xf32, #tpu.memory_space<hbm>>
    tpu.enqueue_indirect_dma source(%dma_start3A_158 : memref<100000x128xf32, #tpu.memory_space<hbm>>) target(%dma_start3A_152 : memref<128x128xf32, #tpu.memory_space<vmem>>) offsets(%dma_start3A_155 : memref<128xi32, #tpu.memory_space<vmem>>) semaphore(%arg23 : memref<!tpu.dma_semaphore, #tpu.memory_space<semaphore_mem>>)
    %dma_wait3A_159 = arith.constant 0 : i32
    %dma_wait3A_160 = arith.constant 0 : i32
    %dma_wait3A_161 = tpu.memref_slice %arg15[%dma_wait3A_159, %dma_wait3A_160] : memref<256x128xf32, #tpu.memory_space<vmem>> -> memref<128x128xf32, #tpu.memory_space<vmem>>
    %dma_wait3A_162 = arith.constant 0 : i32
    %dma_wait3A_163 = tpu.memref_slice %arg14[%add3A_136, %dma_wait3A_162] : memref<8x128xi32, #tpu.memory_space<vmem>> -> memref<1x128xi32, #tpu.memory_space<vmem>>
    %dma_wait3A_164 = tpu.memref_squeeze %dma_wait3A_163 : memref<1x128xi32, #tpu.memory_space<vmem>> -> memref<128xi32, #tpu.memory_space<vmem>>
    %dma_wait3A_165 = arith.constant 0 : i32
    %dma_wait3A_166 = arith.constant 0 : i32
    %dma_wait3A_167 = tpu.memref_slice %arg8[%dma_wait3A_165, %dma_wait3A_166] : memref<100000x128xf32, #tpu.memory_space<hbm>> -> memref<100000x128xf32, #tpu.memory_space<hbm>>
    tpu.wait_indirect_dma semaphore(%arg23 : memref<!tpu.dma_semaphore, #tpu.memory_space<semaphore_mem>>) src(%dma_wait3A_167 : memref<100000x128xf32, #tpu.memory_space<hbm>>) dst(%dma_wait3A_161 : memref<128x128xf32, #tpu.memory_space<vmem>>)
    %dma_wait3A_168 = arith.constant 128 : i32
    %dma_wait3A_169 = arith.constant 0 : i32
    %dma_wait3A_170 = tpu.memref_slice %arg15[%dma_wait3A_168, %dma_wait3A_169] : memref<256x128xf32, #tpu.memory_space<vmem>> -> memref<128x128xf32, #tpu.memory_space<vmem>>
    %dma_wait3A_171 = arith.constant 0 : i32
    %dma_wait3A_172 = tpu.memref_slice %arg14[%add3A_149, %dma_wait3A_171] : memref<8x128xi32, #tpu.memory_space<vmem>> -> memref<1x128xi32, #tpu.memory_space<vmem>>
    %dma_wait3A_173 = tpu.memref_squeeze %dma_wait3A_172 : memref<1x128xi32, #tpu.memory_space<vmem>> -> memref<128xi32, #tpu.memory_space<vmem>>
    %dma_wait3A_174 = arith.constant 0 : i32
    %dma_wait3A_175 = arith.constant 0 : i32
    %dma_wait3A_176 = tpu.memref_slice %arg8[%dma_wait3A_174, %dma_wait3A_175] : memref<100000x128xf32, #tpu.memory_space<hbm>> -> memref<100000x128xf32, #tpu.memory_space<hbm>>
    tpu.wait_indirect_dma semaphore(%arg23 : memref<!tpu.dma_semaphore, #tpu.memory_space<semaphore_mem>>) src(%dma_wait3A_176 : memref<100000x128xf32, #tpu.memory_space<hbm>>) dst(%dma_wait3A_170 : memref<128x128xf32, #tpu.memory_space<vmem>>)
    %add3A_177 = arith.constant 0 : i32
    %add3A_178 = arith.addi %mul3A_2, %add3A_177 : i32
    "tpu.region"() ({
      %run_scoped3A = tpu.sem_alloc : memref<!tpu.dma_semaphore, #tpu.memory_space<semaphore_mem>>
      %dma_start3A_237 = arith.constant 128 : i32
      %dma_start3A_238 = tpu.memref_slice %arg12[%add3A_178, %dma_start3A_237] : memref<16384x256xf32, #tpu.memory_space<hbm>> -> memref<256x128xf32, #tpu.memory_space<hbm>>
      %dma_start3A_239 = arith.constant 128 : i32
      %dma_start3A_240 = tpu.memref_slice %arg12[%add3A_178, %dma_start3A_239] : memref<16384x256xf32, #tpu.memory_space<hbm>> -> memref<256x128xf32, #tpu.memory_space<hbm>>
      tpu.enqueue_dma source(%arg15 : memref<256x128xf32, #tpu.memory_space<vmem>>) target(%dma_start3A_240 : memref<256x128xf32, #tpu.memory_space<hbm>>) target_semaphore(%run_scoped3A : memref<!tpu.dma_semaphore, #tpu.memory_space<semaphore_mem>>)
      %dma_wait3A_241 = arith.constant 128 : i32
      %dma_wait3A_242 = tpu.memref_slice %arg12[%add3A_178, %dma_wait3A_241] : memref<16384x256xf32, #tpu.memory_space<hbm>> -> memref<256x128xf32, #tpu.memory_space<hbm>>
      %dma_wait3A_243 = arith.constant 128 : i32
      %dma_wait3A_244 = tpu.memref_slice %arg12[%add3A_178, %dma_wait3A_243] : memref<16384x256xf32, #tpu.memory_space<hbm>> -> memref<256x128xf32, #tpu.memory_space<hbm>>
      tpu.wait_dma2 semaphore(%run_scoped3A : memref<!tpu.dma_semaphore, #tpu.memory_space<semaphore_mem>>) src(%arg15 : memref<256x128xf32, #tpu.memory_space<vmem>>) dst(%dma_wait3A_244 : memref<256x128xf32, #tpu.memory_space<hbm>>)
      tpu.yield
    }) : () -> ()
    %add3A_179 = arith.constant 2 : i32
    %add3A_180 = arith.addi %mul3A_36, %add3A_179 : i32
    %add3A_181 = arith.constant 0 : i32
    %add3A_182 = arith.addi %add3A_180, %add3A_181 : i32
    %dma_start3A_183 = arith.constant 0 : i32
    %dma_start3A_184 = arith.constant 0 : i32
    %dma_start3A_185 = tpu.memref_slice %arg15[%dma_start3A_183, %dma_start3A_184] : memref<256x128xf32, #tpu.memory_space<vmem>> -> memref<128x128xf32, #tpu.memory_space<vmem>>
    %dma_start3A_186 = arith.constant 0 : i32
    %dma_start3A_187 = tpu.memref_slice %arg14[%add3A_182, %dma_start3A_186] : memref<8x128xi32, #tpu.memory_space<vmem>> -> memref<1x128xi32, #tpu.memory_space<vmem>>
    %dma_start3A_188 = tpu.memref_squeeze %dma_start3A_187 : memref<1x128xi32, #tpu.memory_space<vmem>> -> memref<128xi32, #tpu.memory_space<vmem>>
    %dma_start3A_189 = arith.constant 0 : i32
    %dma_start3A_190 = arith.constant 0 : i32
    %dma_start3A_191 = tpu.memref_slice %arg8[%dma_start3A_189, %dma_start3A_190] : memref<100000x128xf32, #tpu.memory_space<hbm>> -> memref<100000x128xf32, #tpu.memory_space<hbm>>
    tpu.enqueue_indirect_dma source(%dma_start3A_191 : memref<100000x128xf32, #tpu.memory_space<hbm>>) target(%dma_start3A_185 : memref<128x128xf32, #tpu.memory_space<vmem>>) offsets(%dma_start3A_188 : memref<128xi32, #tpu.memory_space<vmem>>) semaphore(%arg23 : memref<!tpu.dma_semaphore, #tpu.memory_space<semaphore_mem>>)
    %add3A_192 = arith.constant 2 : i32
    %add3A_193 = arith.addi %mul3A_36, %add3A_192 : i32
    %add3A_194 = arith.constant 1 : i32
    %add3A_195 = arith.addi %add3A_193, %add3A_194 : i32
    %dma_start3A_196 = arith.constant 128 : i32
    %dma_start3A_197 = arith.constant 0 : i32
    %dma_start3A_198 = tpu.memref_slice %arg15[%dma_start3A_196, %dma_start3A_197] : memref<256x128xf32, #tpu.memory_space<vmem>> -> memref<128x128xf32, #tpu.memory_space<vmem>>
    %dma_start3A_199 = arith.constant 0 : i32
    %dma_start3A_200 = tpu.memref_slice %arg14[%add3A_195, %dma_start3A_199] : memref<8x128xi32, #tpu.memory_space<vmem>> -> memref<1x128xi32, #tpu.memory_space<vmem>>
    %dma_start3A_201 = tpu.memref_squeeze %dma_start3A_200 : memref<1x128xi32, #tpu.memory_space<vmem>> -> memref<128xi32, #tpu.memory_space<vmem>>
    %dma_start3A_202 = arith.constant 0 : i32
    %dma_start3A_203 = arith.constant 0 : i32
    %dma_start3A_204 = tpu.memref_slice %arg8[%dma_start3A_202, %dma_start3A_203] : memref<100000x128xf32, #tpu.memory_space<hbm>> -> memref<100000x128xf32, #tpu.memory_space<hbm>>
    tpu.enqueue_indirect_dma source(%dma_start3A_204 : memref<100000x128xf32, #tpu.memory_space<hbm>>) target(%dma_start3A_198 : memref<128x128xf32, #tpu.memory_space<vmem>>) offsets(%dma_start3A_201 : memref<128xi32, #tpu.memory_space<vmem>>) semaphore(%arg23 : memref<!tpu.dma_semaphore, #tpu.memory_space<semaphore_mem>>)
    %dma_wait3A_205 = arith.constant 0 : i32
    %dma_wait3A_206 = arith.constant 0 : i32
    %dma_wait3A_207 = tpu.memref_slice %arg15[%dma_wait3A_205, %dma_wait3A_206] : memref<256x128xf32, #tpu.memory_space<vmem>> -> memref<128x128xf32, #tpu.memory_space<vmem>>
    %dma_wait3A_208 = arith.constant 0 : i32
    %dma_wait3A_209 = tpu.memref_slice %arg14[%add3A_182, %dma_wait3A_208] : memref<8x128xi32, #tpu.memory_space<vmem>> -> memref<1x128xi32, #tpu.memory_space<vmem>>
    %dma_wait3A_210 = tpu.memref_squeeze %dma_wait3A_209 : memref<1x128xi32, #tpu.memory_space<vmem>> -> memref<128xi32, #tpu.memory_space<vmem>>
    %dma_wait3A_211 = arith.constant 0 : i32
    %dma_wait3A_212 = arith.constant 0 : i32
    %dma_wait3A_213 = tpu.memref_slice %arg8[%dma_wait3A_211, %dma_wait3A_212] : memref<100000x128xf32, #tpu.memory_space<hbm>> -> memref<100000x128xf32, #tpu.memory_space<hbm>>
    tpu.wait_indirect_dma semaphore(%arg23 : memref<!tpu.dma_semaphore, #tpu.memory_space<semaphore_mem>>) src(%dma_wait3A_213 : memref<100000x128xf32, #tpu.memory_space<hbm>>) dst(%dma_wait3A_207 : memref<128x128xf32, #tpu.memory_space<vmem>>)
    %dma_wait3A_214 = arith.constant 128 : i32
    %dma_wait3A_215 = arith.constant 0 : i32
    %dma_wait3A_216 = tpu.memref_slice %arg15[%dma_wait3A_214, %dma_wait3A_215] : memref<256x128xf32, #tpu.memory_space<vmem>> -> memref<128x128xf32, #tpu.memory_space<vmem>>
    %dma_wait3A_217 = arith.constant 0 : i32
    %dma_wait3A_218 = tpu.memref_slice %arg14[%add3A_195, %dma_wait3A_217] : memref<8x128xi32, #tpu.memory_space<vmem>> -> memref<1x128xi32, #tpu.memory_space<vmem>>
    %dma_wait3A_219 = tpu.memref_squeeze %dma_wait3A_218 : memref<1x128xi32, #tpu.memory_space<vmem>> -> memref<128xi32, #tpu.memory_space<vmem>>
    %dma_wait3A_220 = arith.constant 0 : i32
    %dma_wait3A_221 = arith.constant 0 : i32
    %dma_wait3A_222 = tpu.memref_slice %arg8[%dma_wait3A_220, %dma_wait3A_221] : memref<100000x128xf32, #tpu.memory_space<hbm>> -> memref<100000x128xf32, #tpu.memory_space<hbm>>
    tpu.wait_indirect_dma semaphore(%arg23 : memref<!tpu.dma_semaphore, #tpu.memory_space<semaphore_mem>>) src(%dma_wait3A_222 : memref<100000x128xf32, #tpu.memory_space<hbm>>) dst(%dma_wait3A_216 : memref<128x128xf32, #tpu.memory_space<vmem>>)
    %add3A_223 = arith.constant 256 : i32
    %add3A_224 = arith.addi %mul3A_2, %add3A_223 : i32
    "tpu.region"() ({
      %run_scoped3A = tpu.sem_alloc : memref<!tpu.dma_semaphore, #tpu.memory_space<semaphore_mem>>
      %dma_start3A_237 = arith.constant 128 : i32
      %dma_start3A_238 = tpu.memref_slice %arg12[%add3A_224, %dma_start3A_237] : memref<16384x256xf32, #tpu.memory_space<hbm>> -> memref<256x128xf32, #tpu.memory_space<hbm>>
      %dma_start3A_239 = arith.constant 128 : i32
      %dma_start3A_240 = tpu.memref_slice %arg12[%add3A_224, %dma_start3A_239] : memref<16384x256xf32, #tpu.memory_space<hbm>> -> memref<256x128xf32, #tpu.memory_space<hbm>>
      tpu.enqueue_dma source(%arg15 : memref<256x128xf32, #tpu.memory_space<vmem>>) target(%dma_start3A_240 : memref<256x128xf32, #tpu.memory_space<hbm>>) target_semaphore(%run_scoped3A : memref<!tpu.dma_semaphore, #tpu.memory_space<semaphore_mem>>)
      %dma_wait3A_241 = arith.constant 128 : i32
      %dma_wait3A_242 = tpu.memref_slice %arg12[%add3A_224, %dma_wait3A_241] : memref<16384x256xf32, #tpu.memory_space<hbm>> -> memref<256x128xf32, #tpu.memory_space<hbm>>
      %dma_wait3A_243 = arith.constant 128 : i32
      %dma_wait3A_244 = tpu.memref_slice %arg12[%add3A_224, %dma_wait3A_243] : memref<16384x256xf32, #tpu.memory_space<hbm>> -> memref<256x128xf32, #tpu.memory_space<hbm>>
      tpu.wait_dma2 semaphore(%run_scoped3A : memref<!tpu.dma_semaphore, #tpu.memory_space<semaphore_mem>>) src(%arg15 : memref<256x128xf32, #tpu.memory_space<vmem>>) dst(%dma_wait3A_244 : memref<256x128xf32, #tpu.memory_space<hbm>>)
      tpu.yield
    }) : () -> ()
    tpu.wait_dma2 semaphore(%arg24 : memref<!tpu.dma_semaphore, #tpu.memory_space<semaphore_mem>>) src(%arg9 : memref<16000xf32, #tpu.memory_space<hbm>>) dst(%arg16 : memref<16000xf32, #tpu.memory_space<vmem>>)
    tpu.wait_dma2 semaphore(%arg24 : memref<!tpu.dma_semaphore, #tpu.memory_space<semaphore_mem>>) src(%arg10 : memref<16000xf32, #tpu.memory_space<hbm>>) dst(%arg17 : memref<16000xf32, #tpu.memory_space<vmem>>)
    tpu.wait_dma2 semaphore(%arg24 : memref<!tpu.dma_semaphore, #tpu.memory_space<semaphore_mem>>) src(%arg11 : memref<16000xf32, #tpu.memory_space<hbm>>) dst(%arg18 : memref<16000xf32, #tpu.memory_space<vmem>>)
    %dma_wait3A_225 = tpu.memref_slice %arg4[%mul3A_2] : memref<16384xi32, #tpu.memory_space<hbm>> -> memref<512xi32, #tpu.memory_space<hbm>>
    %dma_wait3A_226 = tpu.memref_slice %arg4[%mul3A_2] : memref<16384xi32, #tpu.memory_space<hbm>> -> memref<512xi32, #tpu.memory_space<hbm>>
    tpu.wait_dma2 semaphore(%arg24 : memref<!tpu.dma_semaphore, #tpu.memory_space<semaphore_mem>>) src(%dma_wait3A_226 : memref<512xi32, #tpu.memory_space<hbm>>) dst(%arg19 : memref<512xi32, #tpu.memory_space<vmem>>)
    %dma_wait3A_227 = tpu.memref_slice %arg5[%mul3A_2] : memref<16384xi32, #tpu.memory_space<hbm>> -> memref<512xi32, #tpu.memory_space<hbm>>
    %dma_wait3A_228 = tpu.memref_slice %arg5[%mul3A_2] : memref<16384xi32, #tpu.memory_space<hbm>> -> memref<512xi32, #tpu.memory_space<hbm>>
    tpu.wait_dma2 semaphore(%arg24 : memref<!tpu.dma_semaphore, #tpu.memory_space<semaphore_mem>>) src(%dma_wait3A_228 : memref<512xi32, #tpu.memory_space<hbm>>) dst(%arg20 : memref<512xi32, #tpu.memory_space<vmem>>)
    %dma_wait3A_229 = tpu.memref_slice %arg6[%mul3A_2] : memref<16384xi32, #tpu.memory_space<hbm>> -> memref<512xi32, #tpu.memory_space<hbm>>
    %dma_wait3A_230 = tpu.memref_slice %arg6[%mul3A_2] : memref<16384xi32, #tpu.memory_space<hbm>> -> memref<512xi32, #tpu.memory_space<hbm>>
    tpu.wait_dma2 semaphore(%arg24 : memref<!tpu.dma_semaphore, #tpu.memory_space<semaphore_mem>>) src(%dma_wait3A_230 : memref<512xi32, #tpu.memory_space<hbm>>) dst(%arg21 : memref<512xi32, #tpu.memory_space<vmem>>)
    %scan3A = arith.constant 0 : i32
    %scan3A_231 = arith.constant 0 : i32
    %scan3A_232 = arith.constant 32 : i32
    %scan3A_233 = arith.addi %scan3A_231, %scan3A_232 : i32
    %scan3A_234 = arith.constant 1 : i32
    %scan3A_235 = scf.for %scan3A_237 = %scan3A_231 to %scan3A_233 step %scan3A_234 iter_args(%scan3A_238 = %scan3A) -> (i32)  : i32 {
      %mul3A_239 = arith.constant 16 : i32
      %mul3A_240 = arith.muli %scan3A_237, %mul3A_239 : i32
      %get3A = arith.index_cast %mul3A_240 : i32 to index
      %get3A_241 = tpu.vector_load %arg19[%get3A] {strides = array<i32>} : memref<512xi32, #tpu.memory_space<vmem>>, vector<16xi32>,
      %mul3A_242 = arith.constant 16 : i32
      %mul3A_243 = vector.broadcast %mul3A_242 : i32 to vector<16xi32>
      %mul3A_244 = arith.muli %get3A_241, %mul3A_243 : vector<16xi32>
      %add3A_245 = arith.constant 0 : i32
      %add3A_246 = vector.broadcast %add3A_245 : i32 to vector<16xi32>
      %add3A_247 = arith.addi %mul3A_244, %add3A_246 : vector<16xi32>
      %gather3A = tpu.vector_load_idx %arg16[%add3A_247] : memref<16000xf32, #tpu.memory_space<vmem>>[vector<16xi32>], vector<16xf32>,
      %mul3A_248 = arith.constant 16 : i32
      %mul3A_249 = arith.muli %scan3A_237, %mul3A_248 : i32
      %swap3A = arith.constant 0 : i32
      %swap3A_250 = arith.index_cast %swap3A : i32 to index
      %swap3A_251 = arith.index_cast %mul3A_249 : i32 to index
      %swap3A_252 = tpu.vector_load %arg22[%swap3A_250, %swap3A_251] {strides = array<i32>} : memref<48x512xf32, #tpu.memory_space<vmem>>, vector<16xf32>,
      tpu.vector_store %arg22[%swap3A_250, %swap3A_251], %gather3A {strides = array<i32>} : memref<48x512xf32, #tpu.memory_space<vmem>>, vector<16xf32>,
      %add3A_253 = arith.constant 1 : i32
      %add3A_254 = vector.broadcast %add3A_253 : i32 to vector<16xi32>
      %add3A_255 = arith.addi %mul3A_244, %add3A_254 : vector<16xi32>
      %gather3A_256 = tpu.vector_load_idx %arg16[%add3A_255] : memref<16000xf32, #tpu.memory_space<vmem>>[vector<16xi32>], vector<16xf32>,
      %mul3A_257 = arith.constant 16 : i32
      %mul3A_258 = arith.muli %scan3A_237, %mul3A_257 : i32
      %swap3A_259 = arith.constant 1 : i32
      %swap3A_260 = arith.index_cast %swap3A_259 : i32 to index
      %swap3A_261 = arith.index_cast %mul3A_258 : i32 to index
      %swap3A_262 = tpu.vector_load %arg22[%swap3A_260, %swap3A_261] {strides = array<i32>} : memref<48x512xf32, #tpu.memory_space<vmem>>, vector<16xf32>,
      tpu.vector_store %arg22[%swap3A_260, %swap3A_261], %gather3A_256 {strides = array<i32>} : memref<48x512xf32, #tpu.memory_space<vmem>>, vector<16xf32>,
      %add3A_263 = arith.constant 2 : i32
      %add3A_264 = vector.broadcast %add3A_263 : i32 to vector<16xi32>
      %add3A_265 = arith.addi %mul3A_244, %add3A_264 : vector<16xi32>
      %gather3A_266 = tpu.vector_load_idx %arg16[%add3A_265] : memref<16000xf32, #tpu.memory_space<vmem>>[vector<16xi32>], vector<16xf32>,
      %mul3A_267 = arith.constant 16 : i32
      %mul3A_268 = arith.muli %scan3A_237, %mul3A_267 : i32
      %swap3A_269 = arith.constant 2 : i32
      %swap3A_270 = arith.index_cast %swap3A_269 : i32 to index
      %swap3A_271 = arith.index_cast %mul3A_268 : i32 to index
      %swap3A_272 = tpu.vector_load %arg22[%swap3A_270, %swap3A_271] {strides = array<i32>} : memref<48x512xf32, #tpu.memory_space<vmem>>, vector<16xf32>,
      tpu.vector_store %arg22[%swap3A_270, %swap3A_271], %gather3A_266 {strides = array<i32>} : memref<48x512xf32, #tpu.memory_space<vmem>>, vector<16xf32>,
      %add3A_273 = arith.constant 3 : i32
      %add3A_274 = vector.broadcast %add3A_273 : i32 to vector<16xi32>
      %add3A_275 = arith.addi %mul3A_244, %add3A_274 : vector<16xi32>
      %gather3A_276 = tpu.vector_load_idx %arg16[%add3A_275] : memref<16000xf32, #tpu.memory_space<vmem>>[vector<16xi32>], vector<16xf32>,
      %mul3A_277 = arith.constant 16 : i32
      %mul3A_278 = arith.muli %scan3A_237, %mul3A_277 : i32
      %swap3A_279 = arith.constant 3 : i32
      %swap3A_280 = arith.index_cast %swap3A_279 : i32 to index
      %swap3A_281 = arith.index_cast %mul3A_278 : i32 to index
      %swap3A_282 = tpu.vector_load %arg22[%swap3A_280, %swap3A_281] {strides = array<i32>} : memref<48x512xf32, #tpu.memory_space<vmem>>, vector<16xf32>,
      tpu.vector_store %arg22[%swap3A_280, %swap3A_281], %gather3A_276 {strides = array<i32>} : memref<48x512xf32, #tpu.memory_space<vmem>>, vector<16xf32>,
      %add3A_283 = arith.constant 4 : i32
      %add3A_284 = vector.broadcast %add3A_283 : i32 to vector<16xi32>
      %add3A_285 = arith.addi %mul3A_244, %add3A_284 : vector<16xi32>
      %gather3A_286 = tpu.vector_load_idx %arg16[%add3A_285] : memref<16000xf32, #tpu.memory_space<vmem>>[vector<16xi32>], vector<16xf32>,
      %mul3A_287 = arith.constant 16 : i32
      %mul3A_288 = arith.muli %scan3A_237, %mul3A_287 : i32
      %swap3A_289 = arith.constant 4 : i32
      %swap3A_290 = arith.index_cast %swap3A_289 : i32 to index
      %swap3A_291 = arith.index_cast %mul3A_288 : i32 to index
      %swap3A_292 = tpu.vector_load %arg22[%swap3A_290, %swap3A_291] {strides = array<i32>} : memref<48x512xf32, #tpu.memory_space<vmem>>, vector<16xf32>,
      tpu.vector_store %arg22[%swap3A_290, %swap3A_291], %gather3A_286 {strides = array<i32>} : memref<48x512xf32, #tpu.memory_space<vmem>>, vector<16xf32>,
      %add3A_293 = arith.constant 5 : i32
      %add3A_294 = vector.broadcast %add3A_293 : i32 to vector<16xi32>
      %add3A_295 = arith.addi %mul3A_244, %add3A_294 : vector<16xi32>
      %gather3A_296 = tpu.vector_load_idx %arg16[%add3A_295] : memref<16000xf32, #tpu.memory_space<vmem>>[vector<16xi32>], vector<16xf32>,
      %mul3A_297 = arith.constant 16 : i32
      %mul3A_298 = arith.muli %scan3A_237, %mul3A_297 : i32
      %swap3A_299 = arith.constant 5 : i32
      %swap3A_300 = arith.index_cast %swap3A_299 : i32 to index
      %swap3A_301 = arith.index_cast %mul3A_298 : i32 to index
      %swap3A_302 = tpu.vector_load %arg22[%swap3A_300, %swap3A_301] {strides = array<i32>} : memref<48x512xf32, #tpu.memory_space<vmem>>, vector<16xf32>,
      tpu.vector_store %arg22[%swap3A_300, %swap3A_301], %gather3A_296 {strides = array<i32>} : memref<48x512xf32, #tpu.memory_space<vmem>>, vector<16xf32>,
      %add3A_303 = arith.constant 6 : i32
      %add3A_304 = vector.broadcast %add3A_303 : i32 to vector<16xi32>
      %add3A_305 = arith.addi %mul3A_244, %add3A_304 : vector<16xi32>
      %gather3A_306 = tpu.vector_load_idx %arg16[%add3A_305] : memref<16000xf32, #tpu.memory_space<vmem>>[vector<16xi32>], vector<16xf32>,
      %mul3A_307 = arith.constant 16 : i32
      %mul3A_308 = arith.muli %scan3A_237, %mul3A_307 : i32
      %swap3A_309 = arith.constant 6 : i32
      %swap3A_310 = arith.index_cast %swap3A_309 : i32 to index
      %swap3A_311 = arith.index_cast %mul3A_308 : i32 to index
      %swap3A_312 = tpu.vector_load %arg22[%swap3A_310, %swap3A_311] {strides = array<i32>} : memref<48x512xf32, #tpu.memory_space<vmem>>, vector<16xf32>,
      tpu.vector_store %arg22[%swap3A_310, %swap3A_311], %gather3A_306 {strides = array<i32>} : memref<48x512xf32, #tpu.memory_space<vmem>>, vector<16xf32>,
      %add3A_313 = arith.constant 7 : i32
      %add3A_314 = vector.broadcast %add3A_313 : i32 to vector<16xi32>
      %add3A_315 = arith.addi %mul3A_244, %add3A_314 : vector<16xi32>
      %gather3A_316 = tpu.vector_load_idx %arg16[%add3A_315] : memref<16000xf32, #tpu.memory_space<vmem>>[vector<16xi32>], vector<16xf32>,
      %mul3A_317 = arith.constant 16 : i32
      %mul3A_318 = arith.muli %scan3A_237, %mul3A_317 : i32
      %swap3A_319 = arith.constant 7 : i32
      %swap3A_320 = arith.index_cast %swap3A_319 : i32 to index
      %swap3A_321 = arith.index_cast %mul3A_318 : i32 to index
      %swap3A_322 = tpu.vector_load %arg22[%swap3A_320, %swap3A_321] {strides = array<i32>} : memref<48x512xf32, #tpu.memory_space<vmem>>, vector<16xf32>,
      tpu.vector_store %arg22[%swap3A_320, %swap3A_321], %gather3A_316 {strides = array<i32>} : memref<48x512xf32, #tpu.memory_space<vmem>>, vector<16xf32>,
      %add3A_323 = arith.constant 8 : i32
      %add3A_324 = vector.broadcast %add3A_323 : i32 to vector<16xi32>
      %add3A_325 = arith.addi %mul3A_244, %add3A_324 : vector<16xi32>
      %gather3A_326 = tpu.vector_load_idx %arg16[%add3A_325] : memref<16000xf32, #tpu.memory_space<vmem>>[vector<16xi32>], vector<16xf32>,
      %mul3A_327 = arith.constant 16 : i32
      %mul3A_328 = arith.muli %scan3A_237, %mul3A_327 : i32
      %swap3A_329 = arith.constant 8 : i32
      %swap3A_330 = arith.index_cast %swap3A_329 : i32 to index
      %swap3A_331 = arith.index_cast %mul3A_328 : i32 to index
      %swap3A_332 = tpu.vector_load %arg22[%swap3A_330, %swap3A_331] {strides = array<i32>} : memref<48x512xf32, #tpu.memory_space<vmem>>, vector<16xf32>,
      tpu.vector_store %arg22[%swap3A_330, %swap3A_331], %gather3A_326 {strides = array<i32>} : memref<48x512xf32, #tpu.memory_space<vmem>>, vector<16xf32>,
      %add3A_333 = arith.constant 9 : i32
      %add3A_334 = vector.broadcast %add3A_333 : i32 to vector<16xi32>
      %add3A_335 = arith.addi %mul3A_244, %add3A_334 : vector<16xi32>
      %gather3A_336 = tpu.vector_load_idx %arg16[%add3A_335] : memref<16000xf32, #tpu.memory_space<vmem>>[vector<16xi32>], vector<16xf32>,
      %mul3A_337 = arith.constant 16 : i32
      %mul3A_338 = arith.muli %scan3A_237, %mul3A_337 : i32
      %swap3A_339 = arith.constant 9 : i32
      %swap3A_340 = arith.index_cast %swap3A_339 : i32 to index
      %swap3A_341 = arith.index_cast %mul3A_338 : i32 to index
      %swap3A_342 = tpu.vector_load %arg22[%swap3A_340, %swap3A_341] {strides = array<i32>} : memref<48x512xf32, #tpu.memory_space<vmem>>, vector<16xf32>,
      tpu.vector_store %arg22[%swap3A_340, %swap3A_341], %gather3A_336 {strides = array<i32>} : memref<48x512xf32, #tpu.memory_space<vmem>>, vector<16xf32>,
      %add3A_343 = arith.constant 10 : i32
      %add3A_344 = vector.broadcast %add3A_343 : i32 to vector<16xi32>
      %add3A_345 = arith.addi %mul3A_244, %add3A_344 : vector<16xi32>
      %gather3A_346 = tpu.vector_load_idx %arg16[%add3A_345] : memref<16000xf32, #tpu.memory_space<vmem>>[vector<16xi32>], vector<16xf32>,
      %mul3A_347 = arith.constant 16 : i32
      %mul3A_348 = arith.muli %scan3A_237, %mul3A_347 : i32
      %swap3A_349 = arith.constant 10 : i32
      %swap3A_350 = arith.index_cast %swap3A_349 : i32 to index
      %swap3A_351 = arith.index_cast %mul3A_348 : i32 to index
      %swap3A_352 = tpu.vector_load %arg22[%swap3A_350, %swap3A_351] {strides = array<i32>} : memref<48x512xf32, #tpu.memory_space<vmem>>, vector<16xf32>,
      tpu.vector_store %arg22[%swap3A_350, %swap3A_351], %gather3A_346 {strides = array<i32>} : memref<48x512xf32, #tpu.memory_space<vmem>>, vector<16xf32>,
      %add3A_353 = arith.constant 11 : i32
      %add3A_354 = vector.broadcast %add3A_353 : i32 to vector<16xi32>
      %add3A_355 = arith.addi %mul3A_244, %add3A_354 : vector<16xi32>
      %gather3A_356 = tpu.vector_load_idx %arg16[%add3A_355] : memref<16000xf32, #tpu.memory_space<vmem>>[vector<16xi32>], vector<16xf32>,
      %mul3A_357 = arith.constant 16 : i32
      %mul3A_358 = arith.muli %scan3A_237, %mul3A_357 : i32
      %swap3A_359 = arith.constant 11 : i32
      %swap3A_360 = arith.index_cast %swap3A_359 : i32 to index
      %swap3A_361 = arith.index_cast %mul3A_358 : i32 to index
      %swap3A_362 = tpu.vector_load %arg22[%swap3A_360, %swap3A_361] {strides = array<i32>} : memref<48x512xf32, #tpu.memory_space<vmem>>, vector<16xf32>,
      tpu.vector_store %arg22[%swap3A_360, %swap3A_361], %gather3A_356 {strides = array<i32>} : memref<48x512xf32, #tpu.memory_space<vmem>>, vector<16xf32>,
      %add3A_363 = arith.constant 12 : i32
      %add3A_364 = vector.broadcast %add3A_363 : i32 to vector<16xi32>
      %add3A_365 = arith.addi %mul3A_244, %add3A_364 : vector<16xi32>
      %gather3A_366 = tpu.vector_load_idx %arg16[%add3A_365] : memref<16000xf32, #tpu.memory_space<vmem>>[vector<16xi32>], vector<16xf32>,
      %mul3A_367 = arith.constant 16 : i32
      %mul3A_368 = arith.muli %scan3A_237, %mul3A_367 : i32
      %swap3A_369 = arith.constant 12 : i32
      %swap3A_370 = arith.index_cast %swap3A_369 : i32 to index
      %swap3A_371 = arith.index_cast %mul3A_368 : i32 to index
      %swap3A_372 = tpu.vector_load %arg22[%swap3A_370, %swap3A_371] {strides = array<i32>} : memref<48x512xf32, #tpu.memory_space<vmem>>, vector<16xf32>,
      tpu.vector_store %arg22[%swap3A_370, %swap3A_371], %gather3A_366 {strides = array<i32>} : memref<48x512xf32, #tpu.memory_space<vmem>>, vector<16xf32>,
      %add3A_373 = arith.constant 13 : i32
      %add3A_374 = vector.broadcast %add3A_373 : i32 to vector<16xi32>
      %add3A_375 = arith.addi %mul3A_244, %add3A_374 : vector<16xi32>
      %gather3A_376 = tpu.vector_load_idx %arg16[%add3A_375] : memref<16000xf32, #tpu.memory_space<vmem>>[vector<16xi32>], vector<16xf32>,
      %mul3A_377 = arith.constant 16 : i32
      %mul3A_378 = arith.muli %scan3A_237, %mul3A_377 : i32
      %swap3A_379 = arith.constant 13 : i32
      %swap3A_380 = arith.index_cast %swap3A_379 : i32 to index
      %swap3A_381 = arith.index_cast %mul3A_378 : i32 to index
      %swap3A_382 = tpu.vector_load %arg22[%swap3A_380, %swap3A_381] {strides = array<i32>} : memref<48x512xf32, #tpu.memory_space<vmem>>, vector<16xf32>,
      tpu.vector_store %arg22[%swap3A_380, %swap3A_381], %gather3A_376 {strides = array<i32>} : memref<48x512xf32, #tpu.memory_space<vmem>>, vector<16xf32>,
      %add3A_383 = arith.constant 14 : i32
      %add3A_384 = vector.broadcast %add3A_383 : i32 to vector<16xi32>
      %add3A_385 = arith.addi %mul3A_244, %add3A_384 : vector<16xi32>
      %gather3A_386 = tpu.vector_load_idx %arg16[%add3A_385] : memref<16000xf32, #tpu.memory_space<vmem>>[vector<16xi32>], vector<16xf32>,
      %mul3A_387 = arith.constant 16 : i32
      %mul3A_388 = arith.muli %scan3A_237, %mul3A_387 : i32
      %swap3A_389 = arith.constant 14 : i32
      %swap3A_390 = arith.index_cast %swap3A_389 : i32 to index
      %swap3A_391 = arith.index_cast %mul3A_388 : i32 to index
      %swap3A_392 = tpu.vector_load %arg22[%swap3A_390, %swap3A_391] {strides = array<i32>} : memref<48x512xf32, #tpu.memory_space<vmem>>, vector<16xf32>,
      tpu.vector_store %arg22[%swap3A_390, %swap3A_391], %gather3A_386 {strides = array<i32>} : memref<48x512xf32, #tpu.memory_space<vmem>>, vector<16xf32>,
      %add3A_393 = arith.constant 15 : i32
      %add3A_394 = vector.broadcast %add3A_393 : i32 to vector<16xi32>
      %add3A_395 = arith.addi %mul3A_244, %add3A_394 : vector<16xi32>
      %gather3A_396 = tpu.vector_load_idx %arg16[%add3A_395] : memref<16000xf32, #tpu.memory_space<vmem>>[vector<16xi32>], vector<16xf32>,
      %mul3A_397 = arith.constant 16 : i32
      %mul3A_398 = arith.muli %scan3A_237, %mul3A_397 : i32
      %swap3A_399 = arith.constant 15 : i32
      %swap3A_400 = arith.index_cast %swap3A_399 : i32 to index
      %swap3A_401 = arith.index_cast %mul3A_398 : i32 to index
      %swap3A_402 = tpu.vector_load %arg22[%swap3A_400, %swap3A_401] {strides = array<i32>} : memref<48x512xf32, #tpu.memory_space<vmem>>, vector<16xf32>,
      tpu.vector_store %arg22[%swap3A_400, %swap3A_401], %gather3A_396 {strides = array<i32>} : memref<48x512xf32, #tpu.memory_space<vmem>>, vector<16xf32>,
      %mul3A_403 = arith.constant 16 : i32
      %mul3A_404 = arith.muli %scan3A_237, %mul3A_403 : i32
      %get3A_405 = arith.index_cast %mul3A_404 : i32 to index
      %get3A_406 = tpu.vector_load %arg20[%get3A_405] {strides = array<i32>} : memref<512xi32, #tpu.memory_space<vmem>>, vector<16xi32>,
      %mul3A_407 = arith.constant 16 : i32
      %mul3A_408 = vector.broadcast %mul3A_407 : i32 to vector<16xi32>
      %mul3A_409 = arith.muli %get3A_406, %mul3A_408 : vector<16xi32>
      %add3A_410 = arith.constant 0 : i32
      %add3A_411 = vector.broadcast %add3A_410 : i32 to vector<16xi32>
      %add3A_412 = arith.addi %mul3A_409, %add3A_411 : vector<16xi32>
      %gather3A_413 = tpu.vector_load_idx %arg17[%add3A_412] : memref<16000xf32, #tpu.memory_space<vmem>>[vector<16xi32>], vector<16xf32>,
      %mul3A_414 = arith.constant 16 : i32
      %mul3A_415 = arith.muli %scan3A_237, %mul3A_414 : i32
      %swap3A_416 = arith.constant 16 : i32
      %swap3A_417 = arith.index_cast %swap3A_416 : i32 to index
      %swap3A_418 = arith.index_cast %mul3A_415 : i32 to index
      %swap3A_419 = tpu.vector_load %arg22[%swap3A_417, %swap3A_418] {strides = array<i32>} : memref<48x512xf32, #tpu.memory_space<vmem>>, vector<16xf32>,
      tpu.vector_store %arg22[%swap3A_417, %swap3A_418], %gather3A_413 {strides = array<i32>} : memref<48x512xf32, #tpu.memory_space<vmem>>, vector<16xf32>,
      %add3A_420 = arith.constant 1 : i32
      %add3A_421 = vector.broadcast %add3A_420 : i32 to vector<16xi32>
      %add3A_422 = arith.addi %mul3A_409, %add3A_421 : vector<16xi32>
      %gather3A_423 = tpu.vector_load_idx %arg17[%add3A_422] : memref<16000xf32, #tpu.memory_space<vmem>>[vector<16xi32>], vector<16xf32>,
      %mul3A_424 = arith.constant 16 : i32
      %mul3A_425 = arith.muli %scan3A_237, %mul3A_424 : i32
      %swap3A_426 = arith.constant 17 : i32
      %swap3A_427 = arith.index_cast %swap3A_426 : i32 to index
      %swap3A_428 = arith.index_cast %mul3A_425 : i32 to index
      %swap3A_429 = tpu.vector_load %arg22[%swap3A_427, %swap3A_428] {strides = array<i32>} : memref<48x512xf32, #tpu.memory_space<vmem>>, vector<16xf32>,
      tpu.vector_store %arg22[%swap3A_427, %swap3A_428], %gather3A_423 {strides = array<i32>} : memref<48x512xf32, #tpu.memory_space<vmem>>, vector<16xf32>,
      %add3A_430 = arith.constant 2 : i32
      %add3A_431 = vector.broadcast %add3A_430 : i32 to vector<16xi32>
      %add3A_432 = arith.addi %mul3A_409, %add3A_431 : vector<16xi32>
      %gather3A_433 = tpu.vector_load_idx %arg17[%add3A_432] : memref<16000xf32, #tpu.memory_space<vmem>>[vector<16xi32>], vector<16xf32>,
      %mul3A_434 = arith.constant 16 : i32
      %mul3A_435 = arith.muli %scan3A_237, %mul3A_434 : i32
      %swap3A_436 = arith.constant 18 : i32
      %swap3A_437 = arith.index_cast %swap3A_436 : i32 to index
      %swap3A_438 = arith.index_cast %mul3A_435 : i32 to index
      %swap3A_439 = tpu.vector_load %arg22[%swap3A_437, %swap3A_438] {strides = array<i32>} : memref<48x512xf32, #tpu.memory_space<vmem>>, vector<16xf32>,
      tpu.vector_store %arg22[%swap3A_437, %swap3A_438], %gather3A_433 {strides = array<i32>} : memref<48x512xf32, #tpu.memory_space<vmem>>, vector<16xf32>,
      %add3A_440 = arith.constant 3 : i32
      %add3A_441 = vector.broadcast %add3A_440 : i32 to vector<16xi32>
      %add3A_442 = arith.addi %mul3A_409, %add3A_441 : vector<16xi32>
      %gather3A_443 = tpu.vector_load_idx %arg17[%add3A_442] : memref<16000xf32, #tpu.memory_space<vmem>>[vector<16xi32>], vector<16xf32>,
      %mul3A_444 = arith.constant 16 : i32
      %mul3A_445 = arith.muli %scan3A_237, %mul3A_444 : i32
      %swap3A_446 = arith.constant 19 : i32
      %swap3A_447 = arith.index_cast %swap3A_446 : i32 to index
      %swap3A_448 = arith.index_cast %mul3A_445 : i32 to index
      %swap3A_449 = tpu.vector_load %arg22[%swap3A_447, %swap3A_448] {strides = array<i32>} : memref<48x512xf32, #tpu.memory_space<vmem>>, vector<16xf32>,
      tpu.vector_store %arg22[%swap3A_447, %swap3A_448], %gather3A_443 {strides = array<i32>} : memref<48x512xf32, #tpu.memory_space<vmem>>, vector<16xf32>,
      %add3A_450 = arith.constant 4 : i32
      %add3A_451 = vector.broadcast %add3A_450 : i32 to vector<16xi32>
      %add3A_452 = arith.addi %mul3A_409, %add3A_451 : vector<16xi32>
      %gather3A_453 = tpu.vector_load_idx %arg17[%add3A_452] : memref<16000xf32, #tpu.memory_space<vmem>>[vector<16xi32>], vector<16xf32>,
      %mul3A_454 = arith.constant 16 : i32
      %mul3A_455 = arith.muli %scan3A_237, %mul3A_454 : i32
      %swap3A_456 = arith.constant 20 : i32
      %swap3A_457 = arith.index_cast %swap3A_456 : i32 to index
      %swap3A_458 = arith.index_cast %mul3A_455 : i32 to index
      %swap3A_459 = tpu.vector_load %arg22[%swap3A_457, %swap3A_458] {strides = array<i32>} : memref<48x512xf32, #tpu.memory_space<vmem>>, vector<16xf32>,
      tpu.vector_store %arg22[%swap3A_457, %swap3A_458], %gather3A_453 {strides = array<i32>} : memref<48x512xf32, #tpu.memory_space<vmem>>, vector<16xf32>,
      %add3A_460 = arith.constant 5 : i32
      %add3A_461 = vector.broadcast %add3A_460 : i32 to vector<16xi32>
      %add3A_462 = arith.addi %mul3A_409, %add3A_461 : vector<16xi32>
      %gather3A_463 = tpu.vector_load_idx %arg17[%add3A_462] : memref<16000xf32, #tpu.memory_space<vmem>>[vector<16xi32>], vector<16xf32>,
      %mul3A_464 = arith.constant 16 : i32
      %mul3A_465 = arith.muli %scan3A_237, %mul3A_464 : i32
      %swap3A_466 = arith.constant 21 : i32
      %swap3A_467 = arith.index_cast %swap3A_466 : i32 to index
      %swap3A_468 = arith.index_cast %mul3A_465 : i32 to index
      %swap3A_469 = tpu.vector_load %arg22[%swap3A_467, %swap3A_468] {strides = array<i32>} : memref<48x512xf32, #tpu.memory_space<vmem>>, vector<16xf32>,
      tpu.vector_store %arg22[%swap3A_467, %swap3A_468], %gather3A_463 {strides = array<i32>} : memref<48x512xf32, #tpu.memory_space<vmem>>, vector<16xf32>,
      %add3A_470 = arith.constant 6 : i32
      %add3A_471 = vector.broadcast %add3A_470 : i32 to vector<16xi32>
      %add3A_472 = arith.addi %mul3A_409, %add3A_471 : vector<16xi32>
      %gather3A_473 = tpu.vector_load_idx %arg17[%add3A_472] : memref<16000xf32, #tpu.memory_space<vmem>>[vector<16xi32>], vector<16xf32>,
      %mul3A_474 = arith.constant 16 : i32
      %mul3A_475 = arith.muli %scan3A_237, %mul3A_474 : i32
      %swap3A_476 = arith.constant 22 : i32
      %swap3A_477 = arith.index_cast %swap3A_476 : i32 to index
      %swap3A_478 = arith.index_cast %mul3A_475 : i32 to index
      %swap3A_479 = tpu.vector_load %arg22[%swap3A_477, %swap3A_478] {strides = array<i32>} : memref<48x512xf32, #tpu.memory_space<vmem>>, vector<16xf32>,
      tpu.vector_store %arg22[%swap3A_477, %swap3A_478], %gather3A_473 {strides = array<i32>} : memref<48x512xf32, #tpu.memory_space<vmem>>, vector<16xf32>,
      %add3A_480 = arith.constant 7 : i32
      %add3A_481 = vector.broadcast %add3A_480 : i32 to vector<16xi32>
      %add3A_482 = arith.addi %mul3A_409, %add3A_481 : vector<16xi32>
      %gather3A_483 = tpu.vector_load_idx %arg17[%add3A_482] : memref<16000xf32, #tpu.memory_space<vmem>>[vector<16xi32>], vector<16xf32>,
      %mul3A_484 = arith.constant 16 : i32
      %mul3A_485 = arith.muli %scan3A_237, %mul3A_484 : i32
      %swap3A_486 = arith.constant 23 : i32
      %swap3A_487 = arith.index_cast %swap3A_486 : i32 to index
      %swap3A_488 = arith.index_cast %mul3A_485 : i32 to index
      %swap3A_489 = tpu.vector_load %arg22[%swap3A_487, %swap3A_488] {strides = array<i32>} : memref<48x512xf32, #tpu.memory_space<vmem>>, vector<16xf32>,
      tpu.vector_store %arg22[%swap3A_487, %swap3A_488], %gather3A_483 {strides = array<i32>} : memref<48x512xf32, #tpu.memory_space<vmem>>, vector<16xf32>,
      %add3A_490 = arith.constant 8 : i32
      %add3A_491 = vector.broadcast %add3A_490 : i32 to vector<16xi32>
      %add3A_492 = arith.addi %mul3A_409, %add3A_491 : vector<16xi32>
      %gather3A_493 = tpu.vector_load_idx %arg17[%add3A_492] : memref<16000xf32, #tpu.memory_space<vmem>>[vector<16xi32>], vector<16xf32>,
      %mul3A_494 = arith.constant 16 : i32
      %mul3A_495 = arith.muli %scan3A_237, %mul3A_494 : i32
      %swap3A_496 = arith.constant 24 : i32
      %swap3A_497 = arith.index_cast %swap3A_496 : i32 to index
      %swap3A_498 = arith.index_cast %mul3A_495 : i32 to index
      %swap3A_499 = tpu.vector_load %arg22[%swap3A_497, %swap3A_498] {strides = array<i32>} : memref<48x512xf32, #tpu.memory_space<vmem>>, vector<16xf32>,
      tpu.vector_store %arg22[%swap3A_497, %swap3A_498], %gather3A_493 {strides = array<i32>} : memref<48x512xf32, #tpu.memory_space<vmem>>, vector<16xf32>,
      %add3A_500 = arith.constant 9 : i32
      %add3A_501 = vector.broadcast %add3A_500 : i32 to vector<16xi32>
      %add3A_502 = arith.addi %mul3A_409, %add3A_501 : vector<16xi32>
      %gather3A_503 = tpu.vector_load_idx %arg17[%add3A_502] : memref<16000xf32, #tpu.memory_space<vmem>>[vector<16xi32>], vector<16xf32>,
      %mul3A_504 = arith.constant 16 : i32
      %mul3A_505 = arith.muli %scan3A_237, %mul3A_504 : i32
      %swap3A_506 = arith.constant 25 : i32
      %swap3A_507 = arith.index_cast %swap3A_506 : i32 to index
      %swap3A_508 = arith.index_cast %mul3A_505 : i32 to index
      %swap3A_509 = tpu.vector_load %arg22[%swap3A_507, %swap3A_508] {strides = array<i32>} : memref<48x512xf32, #tpu.memory_space<vmem>>, vector<16xf32>,
      tpu.vector_store %arg22[%swap3A_507, %swap3A_508], %gather3A_503 {strides = array<i32>} : memref<48x512xf32, #tpu.memory_space<vmem>>, vector<16xf32>,
      %add3A_510 = arith.constant 10 : i32
      %add3A_511 = vector.broadcast %add3A_510 : i32 to vector<16xi32>
      %add3A_512 = arith.addi %mul3A_409, %add3A_511 : vector<16xi32>
      %gather3A_513 = tpu.vector_load_idx %arg17[%add3A_512] : memref<16000xf32, #tpu.memory_space<vmem>>[vector<16xi32>], vector<16xf32>,
      %mul3A_514 = arith.constant 16 : i32
      %mul3A_515 = arith.muli %scan3A_237, %mul3A_514 : i32
      %swap3A_516 = arith.constant 26 : i32
      %swap3A_517 = arith.index_cast %swap3A_516 : i32 to index
      %swap3A_518 = arith.index_cast %mul3A_515 : i32 to index
      %swap3A_519 = tpu.vector_load %arg22[%swap3A_517, %swap3A_518] {strides = array<i32>} : memref<48x512xf32, #tpu.memory_space<vmem>>, vector<16xf32>,
      tpu.vector_store %arg22[%swap3A_517, %swap3A_518], %gather3A_513 {strides = array<i32>} : memref<48x512xf32, #tpu.memory_space<vmem>>, vector<16xf32>,
      %add3A_520 = arith.constant 11 : i32
      %add3A_521 = vector.broadcast %add3A_520 : i32 to vector<16xi32>
      %add3A_522 = arith.addi %mul3A_409, %add3A_521 : vector<16xi32>
      %gather3A_523 = tpu.vector_load_idx %arg17[%add3A_522] : memref<16000xf32, #tpu.memory_space<vmem>>[vector<16xi32>], vector<16xf32>,
      %mul3A_524 = arith.constant 16 : i32
      %mul3A_525 = arith.muli %scan3A_237, %mul3A_524 : i32
      %swap3A_526 = arith.constant 27 : i32
      %swap3A_527 = arith.index_cast %swap3A_526 : i32 to index
      %swap3A_528 = arith.index_cast %mul3A_525 : i32 to index
      %swap3A_529 = tpu.vector_load %arg22[%swap3A_527, %swap3A_528] {strides = array<i32>} : memref<48x512xf32, #tpu.memory_space<vmem>>, vector<16xf32>,
      tpu.vector_store %arg22[%swap3A_527, %swap3A_528], %gather3A_523 {strides = array<i32>} : memref<48x512xf32, #tpu.memory_space<vmem>>, vector<16xf32>,
      %add3A_530 = arith.constant 12 : i32
      %add3A_531 = vector.broadcast %add3A_530 : i32 to vector<16xi32>
      %add3A_532 = arith.addi %mul3A_409, %add3A_531 : vector<16xi32>
      %gather3A_533 = tpu.vector_load_idx %arg17[%add3A_532] : memref<16000xf32, #tpu.memory_space<vmem>>[vector<16xi32>], vector<16xf32>,
      %mul3A_534 = arith.constant 16 : i32
      %mul3A_535 = arith.muli %scan3A_237, %mul3A_534 : i32
      %swap3A_536 = arith.constant 28 : i32
      %swap3A_537 = arith.index_cast %swap3A_536 : i32 to index
      %swap3A_538 = arith.index_cast %mul3A_535 : i32 to index
      %swap3A_539 = tpu.vector_load %arg22[%swap3A_537, %swap3A_538] {strides = array<i32>} : memref<48x512xf32, #tpu.memory_space<vmem>>, vector<16xf32>,
      tpu.vector_store %arg22[%swap3A_537, %swap3A_538], %gather3A_533 {strides = array<i32>} : memref<48x512xf32, #tpu.memory_space<vmem>>, vector<16xf32>,
      %add3A_540 = arith.constant 13 : i32
      %add3A_541 = vector.broadcast %add3A_540 : i32 to vector<16xi32>
      %add3A_542 = arith.addi %mul3A_409, %add3A_541 : vector<16xi32>
      %gather3A_543 = tpu.vector_load_idx %arg17[%add3A_542] : memref<16000xf32, #tpu.memory_space<vmem>>[vector<16xi32>], vector<16xf32>,
      %mul3A_544 = arith.constant 16 : i32
      %mul3A_545 = arith.muli %scan3A_237, %mul3A_544 : i32
      %swap3A_546 = arith.constant 29 : i32
      %swap3A_547 = arith.index_cast %swap3A_546 : i32 to index
      %swap3A_548 = arith.index_cast %mul3A_545 : i32 to index
      %swap3A_549 = tpu.vector_load %arg22[%swap3A_547, %swap3A_548] {strides = array<i32>} : memref<48x512xf32, #tpu.memory_space<vmem>>, vector<16xf32>,
      tpu.vector_store %arg22[%swap3A_547, %swap3A_548], %gather3A_543 {strides = array<i32>} : memref<48x512xf32, #tpu.memory_space<vmem>>, vector<16xf32>,
      %add3A_550 = arith.constant 14 : i32
      %add3A_551 = vector.broadcast %add3A_550 : i32 to vector<16xi32>
      %add3A_552 = arith.addi %mul3A_409, %add3A_551 : vector<16xi32>
      %gather3A_553 = tpu.vector_load_idx %arg17[%add3A_552] : memref<16000xf32, #tpu.memory_space<vmem>>[vector<16xi32>], vector<16xf32>,
      %mul3A_554 = arith.constant 16 : i32
      %mul3A_555 = arith.muli %scan3A_237, %mul3A_554 : i32
      %swap3A_556 = arith.constant 30 : i32
      %swap3A_557 = arith.index_cast %swap3A_556 : i32 to index
      %swap3A_558 = arith.index_cast %mul3A_555 : i32 to index
      %swap3A_559 = tpu.vector_load %arg22[%swap3A_557, %swap3A_558] {strides = array<i32>} : memref<48x512xf32, #tpu.memory_space<vmem>>, vector<16xf32>,
      tpu.vector_store %arg22[%swap3A_557, %swap3A_558], %gather3A_553 {strides = array<i32>} : memref<48x512xf32, #tpu.memory_space<vmem>>, vector<16xf32>,
      %add3A_560 = arith.constant 15 : i32
      %add3A_561 = vector.broadcast %add3A_560 : i32 to vector<16xi32>
      %add3A_562 = arith.addi %mul3A_409, %add3A_561 : vector<16xi32>
      %gather3A_563 = tpu.vector_load_idx %arg17[%add3A_562] : memref<16000xf32, #tpu.memory_space<vmem>>[vector<16xi32>], vector<16xf32>,
      %mul3A_564 = arith.constant 16 : i32
      %mul3A_565 = arith.muli %scan3A_237, %mul3A_564 : i32
      %swap3A_566 = arith.constant 31 : i32
      %swap3A_567 = arith.index_cast %swap3A_566 : i32 to index
      %swap3A_568 = arith.index_cast %mul3A_565 : i32 to index
      %swap3A_569 = tpu.vector_load %arg22[%swap3A_567, %swap3A_568] {strides = array<i32>} : memref<48x512xf32, #tpu.memory_space<vmem>>, vector<16xf32>,
      tpu.vector_store %arg22[%swap3A_567, %swap3A_568], %gather3A_563 {strides = array<i32>} : memref<48x512xf32, #tpu.memory_space<vmem>>, vector<16xf32>,
      %mul3A_570 = arith.constant 16 : i32
      %mul3A_571 = arith.muli %scan3A_237, %mul3A_570 : i32
      %get3A_572 = arith.index_cast %mul3A_571 : i32 to index
      %get3A_573 = tpu.vector_load %arg21[%get3A_572] {strides = array<i32>} : memref<512xi32, #tpu.memory_space<vmem>>, vector<16xi32>,
      %mul3A_574 = arith.constant 16 : i32
      %mul3A_575 = vector.broadcast %mul3A_574 : i32 to vector<16xi32>
      %mul3A_576 = arith.muli %get3A_573, %mul3A_575 : vector<16xi32>
      %add3A_577 = arith.constant 0 : i32
      %add3A_578 = vector.broadcast %add3A_577 : i32 to vector<16xi32>
      %add3A_579 = arith.addi %mul3A_576, %add3A_578 : vector<16xi32>
      %gather3A_580 = tpu.vector_load_idx %arg18[%add3A_579] : memref<16000xf32, #tpu.memory_space<vmem>>[vector<16xi32>], vector<16xf32>,
      %mul3A_581 = arith.constant 16 : i32
      %mul3A_582 = arith.muli %scan3A_237, %mul3A_581 : i32
      %swap3A_583 = arith.constant 32 : i32
      %swap3A_584 = arith.index_cast %swap3A_583 : i32 to index
      %swap3A_585 = arith.index_cast %mul3A_582 : i32 to index
      %swap3A_586 = tpu.vector_load %arg22[%swap3A_584, %swap3A_585] {strides = array<i32>} : memref<48x512xf32, #tpu.memory_space<vmem>>, vector<16xf32>,
      tpu.vector_store %arg22[%swap3A_584, %swap3A_585], %gather3A_580 {strides = array<i32>} : memref<48x512xf32, #tpu.memory_space<vmem>>, vector<16xf32>,
      %add3A_587 = arith.constant 1 : i32
      %add3A_588 = vector.broadcast %add3A_587 : i32 to vector<16xi32>
      %add3A_589 = arith.addi %mul3A_576, %add3A_588 : vector<16xi32>
      %gather3A_590 = tpu.vector_load_idx %arg18[%add3A_589] : memref<16000xf32, #tpu.memory_space<vmem>>[vector<16xi32>], vector<16xf32>,
      %mul3A_591 = arith.constant 16 : i32
      %mul3A_592 = arith.muli %scan3A_237, %mul3A_591 : i32
      %swap3A_593 = arith.constant 33 : i32
      %swap3A_594 = arith.index_cast %swap3A_593 : i32 to index
      %swap3A_595 = arith.index_cast %mul3A_592 : i32 to index
      %swap3A_596 = tpu.vector_load %arg22[%swap3A_594, %swap3A_595] {strides = array<i32>} : memref<48x512xf32, #tpu.memory_space<vmem>>, vector<16xf32>,
      tpu.vector_store %arg22[%swap3A_594, %swap3A_595], %gather3A_590 {strides = array<i32>} : memref<48x512xf32, #tpu.memory_space<vmem>>, vector<16xf32>,
      %add3A_597 = arith.constant 2 : i32
      %add3A_598 = vector.broadcast %add3A_597 : i32 to vector<16xi32>
      %add3A_599 = arith.addi %mul3A_576, %add3A_598 : vector<16xi32>
      %gather3A_600 = tpu.vector_load_idx %arg18[%add3A_599] : memref<16000xf32, #tpu.memory_space<vmem>>[vector<16xi32>], vector<16xf32>,
      %mul3A_601 = arith.constant 16 : i32
      %mul3A_602 = arith.muli %scan3A_237, %mul3A_601 : i32
      %swap3A_603 = arith.constant 34 : i32
      %swap3A_604 = arith.index_cast %swap3A_603 : i32 to index
      %swap3A_605 = arith.index_cast %mul3A_602 : i32 to index
      %swap3A_606 = tpu.vector_load %arg22[%swap3A_604, %swap3A_605] {strides = array<i32>} : memref<48x512xf32, #tpu.memory_space<vmem>>, vector<16xf32>,
      tpu.vector_store %arg22[%swap3A_604, %swap3A_605], %gather3A_600 {strides = array<i32>} : memref<48x512xf32, #tpu.memory_space<vmem>>, vector<16xf32>,
      %add3A_607 = arith.constant 3 : i32
      %add3A_608 = vector.broadcast %add3A_607 : i32 to vector<16xi32>
      %add3A_609 = arith.addi %mul3A_576, %add3A_608 : vector<16xi32>
      %gather3A_610 = tpu.vector_load_idx %arg18[%add3A_609] : memref<16000xf32, #tpu.memory_space<vmem>>[vector<16xi32>], vector<16xf32>,
      %mul3A_611 = arith.constant 16 : i32
      %mul3A_612 = arith.muli %scan3A_237, %mul3A_611 : i32
      %swap3A_613 = arith.constant 35 : i32
      %swap3A_614 = arith.index_cast %swap3A_613 : i32 to index
      %swap3A_615 = arith.index_cast %mul3A_612 : i32 to index
      %swap3A_616 = tpu.vector_load %arg22[%swap3A_614, %swap3A_615] {strides = array<i32>} : memref<48x512xf32, #tpu.memory_space<vmem>>, vector<16xf32>,
      tpu.vector_store %arg22[%swap3A_614, %swap3A_615], %gather3A_610 {strides = array<i32>} : memref<48x512xf32, #tpu.memory_space<vmem>>, vector<16xf32>,
      %add3A_617 = arith.constant 4 : i32
      %add3A_618 = vector.broadcast %add3A_617 : i32 to vector<16xi32>
      %add3A_619 = arith.addi %mul3A_576, %add3A_618 : vector<16xi32>
      %gather3A_620 = tpu.vector_load_idx %arg18[%add3A_619] : memref<16000xf32, #tpu.memory_space<vmem>>[vector<16xi32>], vector<16xf32>,
      %mul3A_621 = arith.constant 16 : i32
      %mul3A_622 = arith.muli %scan3A_237, %mul3A_621 : i32
      %swap3A_623 = arith.constant 36 : i32
      %swap3A_624 = arith.index_cast %swap3A_623 : i32 to index
      %swap3A_625 = arith.index_cast %mul3A_622 : i32 to index
      %swap3A_626 = tpu.vector_load %arg22[%swap3A_624, %swap3A_625] {strides = array<i32>} : memref<48x512xf32, #tpu.memory_space<vmem>>, vector<16xf32>,
      tpu.vector_store %arg22[%swap3A_624, %swap3A_625], %gather3A_620 {strides = array<i32>} : memref<48x512xf32, #tpu.memory_space<vmem>>, vector<16xf32>,
      %add3A_627 = arith.constant 5 : i32
      %add3A_628 = vector.broadcast %add3A_627 : i32 to vector<16xi32>
      %add3A_629 = arith.addi %mul3A_576, %add3A_628 : vector<16xi32>
      %gather3A_630 = tpu.vector_load_idx %arg18[%add3A_629] : memref<16000xf32, #tpu.memory_space<vmem>>[vector<16xi32>], vector<16xf32>,
      %mul3A_631 = arith.constant 16 : i32
      %mul3A_632 = arith.muli %scan3A_237, %mul3A_631 : i32
      %swap3A_633 = arith.constant 37 : i32
      %swap3A_634 = arith.index_cast %swap3A_633 : i32 to index
      %swap3A_635 = arith.index_cast %mul3A_632 : i32 to index
      %swap3A_636 = tpu.vector_load %arg22[%swap3A_634, %swap3A_635] {strides = array<i32>} : memref<48x512xf32, #tpu.memory_space<vmem>>, vector<16xf32>,
      tpu.vector_store %arg22[%swap3A_634, %swap3A_635], %gather3A_630 {strides = array<i32>} : memref<48x512xf32, #tpu.memory_space<vmem>>, vector<16xf32>,
      %add3A_637 = arith.constant 6 : i32
      %add3A_638 = vector.broadcast %add3A_637 : i32 to vector<16xi32>
      %add3A_639 = arith.addi %mul3A_576, %add3A_638 : vector<16xi32>
      %gather3A_640 = tpu.vector_load_idx %arg18[%add3A_639] : memref<16000xf32, #tpu.memory_space<vmem>>[vector<16xi32>], vector<16xf32>,
      %mul3A_641 = arith.constant 16 : i32
      %mul3A_642 = arith.muli %scan3A_237, %mul3A_641 : i32
      %swap3A_643 = arith.constant 38 : i32
      %swap3A_644 = arith.index_cast %swap3A_643 : i32 to index
      %swap3A_645 = arith.index_cast %mul3A_642 : i32 to index
      %swap3A_646 = tpu.vector_load %arg22[%swap3A_644, %swap3A_645] {strides = array<i32>} : memref<48x512xf32, #tpu.memory_space<vmem>>, vector<16xf32>,
      tpu.vector_store %arg22[%swap3A_644, %swap3A_645], %gather3A_640 {strides = array<i32>} : memref<48x512xf32, #tpu.memory_space<vmem>>, vector<16xf32>,
      %add3A_647 = arith.constant 7 : i32
      %add3A_648 = vector.broadcast %add3A_647 : i32 to vector<16xi32>
      %add3A_649 = arith.addi %mul3A_576, %add3A_648 : vector<16xi32>
      %gather3A_650 = tpu.vector_load_idx %arg18[%add3A_649] : memref<16000xf32, #tpu.memory_space<vmem>>[vector<16xi32>], vector<16xf32>,
      %mul3A_651 = arith.constant 16 : i32
      %mul3A_652 = arith.muli %scan3A_237, %mul3A_651 : i32
      %swap3A_653 = arith.constant 39 : i32
      %swap3A_654 = arith.index_cast %swap3A_653 : i32 to index
      %swap3A_655 = arith.index_cast %mul3A_652 : i32 to index
      %swap3A_656 = tpu.vector_load %arg22[%swap3A_654, %swap3A_655] {strides = array<i32>} : memref<48x512xf32, #tpu.memory_space<vmem>>, vector<16xf32>,
      tpu.vector_store %arg22[%swap3A_654, %swap3A_655], %gather3A_650 {strides = array<i32>} : memref<48x512xf32, #tpu.memory_space<vmem>>, vector<16xf32>,
      %add3A_657 = arith.constant 8 : i32
      %add3A_658 = vector.broadcast %add3A_657 : i32 to vector<16xi32>
      %add3A_659 = arith.addi %mul3A_576, %add3A_658 : vector<16xi32>
      %gather3A_660 = tpu.vector_load_idx %arg18[%add3A_659] : memref<16000xf32, #tpu.memory_space<vmem>>[vector<16xi32>], vector<16xf32>,
      %mul3A_661 = arith.constant 16 : i32
      %mul3A_662 = arith.muli %scan3A_237, %mul3A_661 : i32
      %swap3A_663 = arith.constant 40 : i32
      %swap3A_664 = arith.index_cast %swap3A_663 : i32 to index
      %swap3A_665 = arith.index_cast %mul3A_662 : i32 to index
      %swap3A_666 = tpu.vector_load %arg22[%swap3A_664, %swap3A_665] {strides = array<i32>} : memref<48x512xf32, #tpu.memory_space<vmem>>, vector<16xf32>,
      tpu.vector_store %arg22[%swap3A_664, %swap3A_665], %gather3A_660 {strides = array<i32>} : memref<48x512xf32, #tpu.memory_space<vmem>>, vector<16xf32>,
      %add3A_667 = arith.constant 9 : i32
      %add3A_668 = vector.broadcast %add3A_667 : i32 to vector<16xi32>
      %add3A_669 = arith.addi %mul3A_576, %add3A_668 : vector<16xi32>
      %gather3A_670 = tpu.vector_load_idx %arg18[%add3A_669] : memref<16000xf32, #tpu.memory_space<vmem>>[vector<16xi32>], vector<16xf32>,
      %mul3A_671 = arith.constant 16 : i32
      %mul3A_672 = arith.muli %scan3A_237, %mul3A_671 : i32
      %swap3A_673 = arith.constant 41 : i32
      %swap3A_674 = arith.index_cast %swap3A_673 : i32 to index
      %swap3A_675 = arith.index_cast %mul3A_672 : i32 to index
      %swap3A_676 = tpu.vector_load %arg22[%swap3A_674, %swap3A_675] {strides = array<i32>} : memref<48x512xf32, #tpu.memory_space<vmem>>, vector<16xf32>,
      tpu.vector_store %arg22[%swap3A_674, %swap3A_675], %gather3A_670 {strides = array<i32>} : memref<48x512xf32, #tpu.memory_space<vmem>>, vector<16xf32>,
      %add3A_677 = arith.constant 10 : i32
      %add3A_678 = vector.broadcast %add3A_677 : i32 to vector<16xi32>
      %add3A_679 = arith.addi %mul3A_576, %add3A_678 : vector<16xi32>
      %gather3A_680 = tpu.vector_load_idx %arg18[%add3A_679] : memref<16000xf32, #tpu.memory_space<vmem>>[vector<16xi32>], vector<16xf32>,
      %mul3A_681 = arith.constant 16 : i32
      %mul3A_682 = arith.muli %scan3A_237, %mul3A_681 : i32
      %swap3A_683 = arith.constant 42 : i32
      %swap3A_684 = arith.index_cast %swap3A_683 : i32 to index
      %swap3A_685 = arith.index_cast %mul3A_682 : i32 to index
      %swap3A_686 = tpu.vector_load %arg22[%swap3A_684, %swap3A_685] {strides = array<i32>} : memref<48x512xf32, #tpu.memory_space<vmem>>, vector<16xf32>,
      tpu.vector_store %arg22[%swap3A_684, %swap3A_685], %gather3A_680 {strides = array<i32>} : memref<48x512xf32, #tpu.memory_space<vmem>>, vector<16xf32>,
      %add3A_687 = arith.constant 11 : i32
      %add3A_688 = vector.broadcast %add3A_687 : i32 to vector<16xi32>
      %add3A_689 = arith.addi %mul3A_576, %add3A_688 : vector<16xi32>
      %gather3A_690 = tpu.vector_load_idx %arg18[%add3A_689] : memref<16000xf32, #tpu.memory_space<vmem>>[vector<16xi32>], vector<16xf32>,
      %mul3A_691 = arith.constant 16 : i32
      %mul3A_692 = arith.muli %scan3A_237, %mul3A_691 : i32
      %swap3A_693 = arith.constant 43 : i32
      %swap3A_694 = arith.index_cast %swap3A_693 : i32 to index
      %swap3A_695 = arith.index_cast %mul3A_692 : i32 to index
      %swap3A_696 = tpu.vector_load %arg22[%swap3A_694, %swap3A_695] {strides = array<i32>} : memref<48x512xf32, #tpu.memory_space<vmem>>, vector<16xf32>,
      tpu.vector_store %arg22[%swap3A_694, %swap3A_695], %gather3A_690 {strides = array<i32>} : memref<48x512xf32, #tpu.memory_space<vmem>>, vector<16xf32>,
      %add3A_697 = arith.constant 12 : i32
      %add3A_698 = vector.broadcast %add3A_697 : i32 to vector<16xi32>
      %add3A_699 = arith.addi %mul3A_576, %add3A_698 : vector<16xi32>
      %gather3A_700 = tpu.vector_load_idx %arg18[%add3A_699] : memref<16000xf32, #tpu.memory_space<vmem>>[vector<16xi32>], vector<16xf32>,
      %mul3A_701 = arith.constant 16 : i32
      %mul3A_702 = arith.muli %scan3A_237, %mul3A_701 : i32
      %swap3A_703 = arith.constant 44 : i32
      %swap3A_704 = arith.index_cast %swap3A_703 : i32 to index
      %swap3A_705 = arith.index_cast %mul3A_702 : i32 to index
      %swap3A_706 = tpu.vector_load %arg22[%swap3A_704, %swap3A_705] {strides = array<i32>} : memref<48x512xf32, #tpu.memory_space<vmem>>, vector<16xf32>,
      tpu.vector_store %arg22[%swap3A_704, %swap3A_705], %gather3A_700 {strides = array<i32>} : memref<48x512xf32, #tpu.memory_space<vmem>>, vector<16xf32>,
      %add3A_707 = arith.constant 13 : i32
      %add3A_708 = vector.broadcast %add3A_707 : i32 to vector<16xi32>
      %add3A_709 = arith.addi %mul3A_576, %add3A_708 : vector<16xi32>
      %gather3A_710 = tpu.vector_load_idx %arg18[%add3A_709] : memref<16000xf32, #tpu.memory_space<vmem>>[vector<16xi32>], vector<16xf32>,
      %mul3A_711 = arith.constant 16 : i32
      %mul3A_712 = arith.muli %scan3A_237, %mul3A_711 : i32
      %swap3A_713 = arith.constant 45 : i32
      %swap3A_714 = arith.index_cast %swap3A_713 : i32 to index
      %swap3A_715 = arith.index_cast %mul3A_712 : i32 to index
      %swap3A_716 = tpu.vector_load %arg22[%swap3A_714, %swap3A_715] {strides = array<i32>} : memref<48x512xf32, #tpu.memory_space<vmem>>, vector<16xf32>,
      tpu.vector_store %arg22[%swap3A_714, %swap3A_715], %gather3A_710 {strides = array<i32>} : memref<48x512xf32, #tpu.memory_space<vmem>>, vector<16xf32>,
      %add3A_717 = arith.constant 14 : i32
      %add3A_718 = vector.broadcast %add3A_717 : i32 to vector<16xi32>
      %add3A_719 = arith.addi %mul3A_576, %add3A_718 : vector<16xi32>
      %gather3A_720 = tpu.vector_load_idx %arg18[%add3A_719] : memref<16000xf32, #tpu.memory_space<vmem>>[vector<16xi32>], vector<16xf32>,
      %mul3A_721 = arith.constant 16 : i32
      %mul3A_722 = arith.muli %scan3A_237, %mul3A_721 : i32
      %swap3A_723 = arith.constant 46 : i32
      %swap3A_724 = arith.index_cast %swap3A_723 : i32 to index
      %swap3A_725 = arith.index_cast %mul3A_722 : i32 to index
      %swap3A_726 = tpu.vector_load %arg22[%swap3A_724, %swap3A_725] {strides = array<i32>} : memref<48x512xf32, #tpu.memory_space<vmem>>, vector<16xf32>,
      tpu.vector_store %arg22[%swap3A_724, %swap3A_725], %gather3A_720 {strides = array<i32>} : memref<48x512xf32, #tpu.memory_space<vmem>>, vector<16xf32>,
      %add3A_727 = arith.constant 15 : i32
      %add3A_728 = vector.broadcast %add3A_727 : i32 to vector<16xi32>
      %add3A_729 = arith.addi %mul3A_576, %add3A_728 : vector<16xi32>
      %gather3A_730 = tpu.vector_load_idx %arg18[%add3A_729] : memref<16000xf32, #tpu.memory_space<vmem>>[vector<16xi32>], vector<16xf32>,
      %mul3A_731 = arith.constant 16 : i32
      %mul3A_732 = arith.muli %scan3A_237, %mul3A_731 : i32
      %swap3A_733 = arith.constant 47 : i32
      %swap3A_734 = arith.index_cast %swap3A_733 : i32 to index
      %swap3A_735 = arith.index_cast %mul3A_732 : i32 to index
      %swap3A_736 = tpu.vector_load %arg22[%swap3A_734, %swap3A_735] {strides = array<i32>} : memref<48x512xf32, #tpu.memory_space<vmem>>, vector<16xf32>,
      tpu.vector_store %arg22[%swap3A_734, %swap3A_735], %gather3A_730 {strides = array<i32>} : memref<48x512xf32, #tpu.memory_space<vmem>>, vector<16xf32>,
      %scan3A_737 = arith.constant 0 : i32
      scf.yield %scan3A_737 : i32
    }
    %scan3A_236 = arith.constant 32 : i32
    "tpu.region"() ({
      %run_scoped3A = tpu.sem_alloc : memref<!tpu.dma_semaphore, #tpu.memory_space<semaphore_mem>>
      %dma_start3A_237 = arith.constant 0 : i32
      %dma_start3A_238 = tpu.memref_slice %arg13[%dma_start3A_237, %mul3A_2] : memref<48x16384xf32, #tpu.memory_space<hbm>> -> memref<48x512xf32, #tpu.memory_space<hbm>>
      %dma_start3A_239 = arith.constant 0 : i32
      %dma_start3A_240 = tpu.memref_slice %arg13[%dma_start3A_239, %mul3A_2] : memref<48x16384xf32, #tpu.memory_space<hbm>> -> memref<48x512xf32, #tpu.memory_space<hbm>>
      tpu.enqueue_dma source(%arg22 : memref<48x512xf32, #tpu.memory_space<vmem>>) target(%dma_start3A_240 : memref<48x512xf32, #tpu.memory_space<hbm>>) target_semaphore(%run_scoped3A : memref<!tpu.dma_semaphore, #tpu.memory_space<semaphore_mem>>)
      %dma_wait3A_241 = arith.constant 0 : i32
      %dma_wait3A_242 = tpu.memref_slice %arg13[%dma_wait3A_241, %mul3A_2] : memref<48x16384xf32, #tpu.memory_space<hbm>> -> memref<48x512xf32, #tpu.memory_space<hbm>>
      %dma_wait3A_243 = arith.constant 0 : i32
      %dma_wait3A_244 = tpu.memref_slice %arg13[%dma_wait3A_243, %mul3A_2] : memref<48x16384xf32, #tpu.memory_space<hbm>> -> memref<48x512xf32, #tpu.memory_space<hbm>>
      tpu.wait_dma2 semaphore(%run_scoped3A : memref<!tpu.dma_semaphore, #tpu.memory_space<semaphore_mem>>) src(%arg22 : memref<48x512xf32, #tpu.memory_space<vmem>>) dst(%dma_wait3A_244 : memref<48x512xf32, #tpu.memory_space<hbm>>)
      tpu.yield
    }) : () -> ()
    return
  }
}

module attributes {stable_mosaic.version = 14 : i64} {
  func.func @_mlp_a_body(%arg0: i32, %arg1: memref<1024x2048xf32, #tpu.memory_space<vmem>>, %arg2: memref<2048x256xbf16, #tpu.memory_space<vmem>>, %arg3: memref<1x256xf32, #tpu.memory_space<vmem>>, %arg4: memref<1024x256xbf16, #tpu.memory_space<vmem>>) attributes {dimension_semantics = [#tpu.dimension_semantics<arbitrary>], iteration_bounds = array<i64: 16>, scalar_prefetch = 0 : i64, scratch_operands = 0 : i64, tpu.core_type = #tpu.core_type<tc>, window_params = [{transform_indices = @transform_0, window_bounds = array<i64: 1024, 2048>}, {pipeline_mode = #tpu.pipeline_mode<synchronous>, transform_indices = @transform_1, window_bounds = array<i64: 2048, 256>}, {pipeline_mode = #tpu.pipeline_mode<synchronous>, transform_indices = @transform_2, window_bounds = array<i64: 1, 256>}, {transform_indices = @transform_3, window_bounds = array<i64: 1024, 256>}]} {
    %get3A = arith.constant 0 : index
    %get3A_0 = arith.constant 0 : index
    %get3A_1 = vector.load %arg1[%get3A, %get3A_0] : memref<1024x2048xf32, #tpu.memory_space<vmem>>, vector<1024x2048xf32>
    %convert_element_type3A = arith.truncf %get3A_1 : vector<1024x2048xf32> to vector<1024x2048xbf16>
    %get3A_2 = arith.constant 0 : index
    %get3A_3 = arith.constant 0 : index
    %get3A_4 = vector.load %arg2[%get3A_2, %get3A_3] : memref<2048x256xbf16, #tpu.memory_space<vmem>>, vector<2048x256xbf16>
    %dot_general3A = arith.constant dense<0.000000e+00> : vector<1024x256xf32>
    %dot_general3A_5 = tpu.matmul %convert_element_type3A, %get3A_4, %dot_general3A {dimension_numbers = #tpu.dot_dimension_numbers<[1], [0], [0], [1], [0, 0, 1, 1], [], []>, transpose_lhs_hint = false} : vector<1024x2048xbf16>, vector<2048x256xbf16>, vector<1024x256xf32> -> vector<1024x256xf32>
    %get3A_6 = arith.constant 0 : index
    %get3A_7 = arith.constant 0 : index
    %get3A_8 = vector.load %arg3[%get3A_6, %get3A_7] : memref<1x256xf32, #tpu.memory_space<vmem>>, vector<1x256xf32>
    %add3A = vector.broadcast %get3A_8 : vector<1x256xf32> to vector<1024x256xf32>
    %add3A_9 = arith.addf %dot_general3A_5, %add3A : vector<1024x256xf32>
    %convert_element_type3A_10 = arith.truncf %add3A_9 : vector<1024x256xf32> to vector<1024x256xbf16>
    %swap3A = arith.constant 0 : index
    %swap3A_11 = arith.constant 0 : index
    %swap3A_12 = vector.load %arg4[%swap3A, %swap3A_11] : memref<1024x256xbf16, #tpu.memory_space<vmem>>, vector<1024x256xbf16>
    tpu.vector_store %arg4[%swap3A, %swap3A_11], %convert_element_type3A_10 {strides = array<i32>} : memref<1024x256xbf16, #tpu.memory_space<vmem>>, vector<1024x256xbf16>,
    return
  }
  func.func @transform_0(%arg0: i32) -> (i32, i32) {
    %c0_i32 = arith.constant 0 : i32
    %c0_i32_0 = arith.constant 0 : i32
    return %arg0, %c0_i32 : i32, i32
  }
  func.func @transform_1(%arg0: i32) -> (i32, i32) {
    %c0_i32 = arith.constant 0 : i32
    %c0_i32_0 = arith.constant 0 : i32
    %c0_i32_1 = arith.constant 0 : i32
    return %c0_i32, %c0_i32_0 : i32, i32
  }
  func.func @transform_2(%arg0: i32) -> (i32, i32) {
    %c0_i32 = arith.constant 0 : i32
    %c0_i32_0 = arith.constant 0 : i32
    %c0_i32_1 = arith.constant 0 : i32
    return %c0_i32, %c0_i32_0 : i32, i32
  }
  func.func @transform_3(%arg0: i32) -> (i32, i32) {
    %c0_i32 = arith.constant 0 : i32
    %c0_i32_0 = arith.constant 0 : i32
    return %arg0, %c0_i32 : i32, i32
  }
}

module attributes {stable_mosaic.version = 14 : i64} {
  func.func @_mlp_b_body(%arg0: i32, %arg1: memref<4096x256xbf16, #tpu.memory_space<vmem>>, %arg2: memref<4096x256xf32, #tpu.memory_space<vmem>>, %arg3: memref<48x4096xf32, #tpu.memory_space<vmem>>, %arg4: memref<4096x384xf32, #tpu.memory_space<vmem>>, %arg5: memref<688x256xbf16, #tpu.memory_space<vmem>>, %arg6: memref<256x128xbf16, #tpu.memory_space<vmem>>, %arg7: memref<1x128xf32, #tpu.memory_space<vmem>>, %arg8: memref<128x1xbf16, #tpu.memory_space<vmem>>, %arg9: memref<1x1xf32, #tpu.memory_space<vmem>>, %arg10: memref<4096x1xf32, #tpu.memory_space<vmem>>) attributes {dimension_semantics = [#tpu.dimension_semantics<arbitrary>], iteration_bounds = array<i64: 4>, scalar_prefetch = 0 : i64, scratch_operands = 0 : i64, tpu.core_type = #tpu.core_type<tc>, window_params = [{transform_indices = @transform_0, window_bounds = array<i64: 4096, 256>}, {transform_indices = @transform_1, window_bounds = array<i64: 4096, 256>}, {transform_indices = @transform_2, window_bounds = array<i64: 48, 4096>}, {transform_indices = @transform_3, window_bounds = array<i64: 4096, 384>}, {pipeline_mode = #tpu.pipeline_mode<synchronous>, transform_indices = @transform_4, window_bounds = array<i64: 688, 256>}, {pipeline_mode = #tpu.pipeline_mode<synchronous>, transform_indices = @transform_5, window_bounds = array<i64: 256, 128>}, {pipeline_mode = #tpu.pipeline_mode<synchronous>, transform_indices = @transform_6, window_bounds = array<i64: 1, 128>}, {pipeline_mode = #tpu.pipeline_mode<synchronous>, transform_indices = @transform_7, window_bounds = array<i64: 128, 1>}, {pipeline_mode = #tpu.pipeline_mode<synchronous>, transform_indices = @transform_8, window_bounds = array<i64: 1, 1>}, {transform_indices = @transform_9, window_bounds = array<i64: 4096, 1>}]} {
    %get3A = arith.constant 0 : index
    %get3A_0 = arith.constant 0 : index
    %get3A_1 = vector.load %arg1[%get3A, %get3A_0] : memref<4096x256xbf16, #tpu.memory_space<vmem>>, vector<4096x256xbf16>
    %convert_element_type3A = arith.extf %get3A_1 : vector<4096x256xbf16> to vector<4096x256xf32>
    %get3A_2 = arith.constant 0 : index
    %get3A_3 = arith.constant 0 : index
    %get3A_4 = vector.load %arg2[%get3A_2, %get3A_3] : memref<4096x256xf32, #tpu.memory_space<vmem>>, vector<4096x256xf32>
    %convert_element_type3A_5 = arith.truncf %get3A_4 : vector<4096x256xf32> to vector<4096x256xbf16>
    %get3A_6 = arith.constant 0 : index
    %get3A_7 = arith.constant 0 : index
    %get3A_8 = vector.load %arg5[%get3A_6, %get3A_7] : memref<688x256xbf16, #tpu.memory_space<vmem>>, vector<256x256xbf16>
    %dot_general3A = arith.constant dense<0.000000e+00> : vector<4096x256xf32>
    %dot_general3A_9 = tpu.matmul %convert_element_type3A_5, %get3A_8, %dot_general3A {dimension_numbers = #tpu.dot_dimension_numbers<[1], [0], [0], [1], [0, 0, 1, 1], [], []>, transpose_lhs_hint = false} : vector<4096x256xbf16>, vector<256x256xbf16>, vector<4096x256xf32> -> vector<4096x256xf32>
    %add3A = arith.addf %convert_element_type3A, %dot_general3A_9 : vector<4096x256xf32>
    %get3A_10 = arith.constant 0 : index
    %get3A_11 = arith.constant 0 : index
    %get3A_12 = vector.load %arg3[%get3A_10, %get3A_11] : memref<48x4096xf32, #tpu.memory_space<vmem>>, vector<48x4096xf32>
    %convert_element_type3A_13 = arith.truncf %get3A_12 : vector<48x4096xf32> to vector<48x4096xbf16>
    %get3A_14 = arith.constant 256 : index
    %get3A_15 = arith.constant 0 : index
    %get3A_16 = vector.load %arg5[%get3A_14, %get3A_15] : memref<688x256xbf16, #tpu.memory_space<vmem>>, vector<48x256xbf16>
    %dot_general3A_17 = arith.constant dense<0.000000e+00> : vector<4096x256xf32>
    %dot_general3A_18 = tpu.matmul %convert_element_type3A_13, %get3A_16, %dot_general3A_17 {dimension_numbers = #tpu.dot_dimension_numbers<[0], [0], [1], [1], [0, 1, 1, 1], [], []>, transpose_lhs_hint = false} : vector<48x4096xbf16>, vector<48x256xbf16>, vector<4096x256xf32> -> vector<4096x256xf32>
    %add3A_19 = arith.addf %add3A, %dot_general3A_18 : vector<4096x256xf32>
    %get3A_20 = arith.constant 0 : index
    %get3A_21 = arith.constant 0 : index
    %get3A_22 = vector.load %arg4[%get3A_20, %get3A_21] : memref<4096x384xf32, #tpu.memory_space<vmem>>, vector<4096x384xf32>
    %convert_element_type3A_23 = arith.truncf %get3A_22 : vector<4096x384xf32> to vector<4096x384xbf16>
    %get3A_24 = arith.constant 304 : index
    %get3A_25 = arith.constant 0 : index
    %get3A_26 = vector.load %arg5[%get3A_24, %get3A_25] : memref<688x256xbf16, #tpu.memory_space<vmem>>, vector<384x256xbf16>
    %dot_general3A_27 = arith.constant dense<0.000000e+00> : vector<4096x256xf32>
    %dot_general3A_28 = tpu.matmul %convert_element_type3A_23, %get3A_26, %dot_general3A_27 {dimension_numbers = #tpu.dot_dimension_numbers<[1], [0], [0], [1], [0, 0, 1, 1], [], []>, transpose_lhs_hint = false} : vector<4096x384xbf16>, vector<384x256xbf16>, vector<4096x256xf32> -> vector<4096x256xf32>
    %add3A_29 = arith.addf %add3A_19, %dot_general3A_28 : vector<4096x256xf32>
    %max3A = arith.constant 0.000000e+00 : f32
    %max3A_30 = vector.broadcast %max3A : f32 to vector<4096x256xf32>
    %max3A_31 = arith.maximumf %add3A_29, %max3A_30 : vector<4096x256xf32>
    %convert_element_type3A_32 = arith.truncf %max3A_31 : vector<4096x256xf32> to vector<4096x256xbf16>
    %get3A_33 = arith.constant 0 : index
    %get3A_34 = arith.constant 0 : index
    %get3A_35 = vector.load %arg6[%get3A_33, %get3A_34] : memref<256x128xbf16, #tpu.memory_space<vmem>>, vector<256x128xbf16>
    %dot_general3A_36 = arith.constant dense<0.000000e+00> : vector<4096x128xf32>
    %dot_general3A_37 = tpu.matmul %convert_element_type3A_32, %get3A_35, %dot_general3A_36 {dimension_numbers = #tpu.dot_dimension_numbers<[1], [0], [0], [1], [0, 0, 1, 1], [], []>, transpose_lhs_hint = false} : vector<4096x256xbf16>, vector<256x128xbf16>, vector<4096x128xf32> -> vector<4096x128xf32>
    %get3A_38 = arith.constant 0 : index
    %get3A_39 = arith.constant 0 : index
    %get3A_40 = vector.load %arg7[%get3A_38, %get3A_39] : memref<1x128xf32, #tpu.memory_space<vmem>>, vector<1x128xf32>
    %add3A_41 = vector.broadcast %get3A_40 : vector<1x128xf32> to vector<4096x128xf32>
    %add3A_42 = arith.addf %dot_general3A_37, %add3A_41 : vector<4096x128xf32>
    %max3A_43 = arith.constant 0.000000e+00 : f32
    %max3A_44 = vector.broadcast %max3A_43 : f32 to vector<4096x128xf32>
    %max3A_45 = arith.maximumf %add3A_42, %max3A_44 : vector<4096x128xf32>
    %convert_element_type3A_46 = arith.truncf %max3A_45 : vector<4096x128xf32> to vector<4096x128xbf16>
    %get3A_47 = arith.constant 0 : index
    %get3A_48 = arith.constant 0 : index
    %get3A_49 = vector.load %arg8[%get3A_47, %get3A_48] : memref<128x1xbf16, #tpu.memory_space<vmem>>, vector<128x1xbf16>
    %dot_general3A_50 = arith.constant dense<0.000000e+00> : vector<4096x1xf32>
    %dot_general3A_51 = tpu.matmul %convert_element_type3A_46, %get3A_49, %dot_general3A_50 {dimension_numbers = #tpu.dot_dimension_numbers<[1], [0], [0], [1], [0, 0, 1, 1], [], []>, transpose_lhs_hint = false} : vector<4096x128xbf16>, vector<128x1xbf16>, vector<4096x1xf32> -> vector<4096x1xf32>
    %get3A_52 = arith.constant 0 : index
    %get3A_53 = arith.constant 0 : index
    %get3A_54 = vector.load %arg9[%get3A_52, %get3A_53] : memref<1x1xf32, #tpu.memory_space<vmem>>, vector<1x1xf32>
    %get3A_55 = vector.extract %get3A_54[0, 0] : f32 from vector<1x1xf32>
    %add3A_56 = vector.broadcast %get3A_55 : f32 to vector<4096x1xf32>
    %add3A_57 = arith.addf %dot_general3A_51, %add3A_56 : vector<4096x1xf32>
    %swap3A = arith.constant 0 : index
    %swap3A_58 = arith.constant 0 : index
    %swap3A_59 = vector.load %arg10[%swap3A, %swap3A_58] : memref<4096x1xf32, #tpu.memory_space<vmem>>, vector<4096x1xf32>
    tpu.vector_store %arg10[%swap3A, %swap3A_58], %add3A_57 {strides = array<i32>} : memref<4096x1xf32, #tpu.memory_space<vmem>>, vector<4096x1xf32>,
    return
  }
  func.func @transform_0(%arg0: i32) -> (i32, i32) {
    %c0_i32 = arith.constant 0 : i32
    %c0_i32_0 = arith.constant 0 : i32
    return %arg0, %c0_i32 : i32, i32
  }
  func.func @transform_1(%arg0: i32) -> (i32, i32) {
    %c0_i32 = arith.constant 0 : i32
    %c0_i32_0 = arith.constant 0 : i32
    return %arg0, %c0_i32 : i32, i32
  }
  func.func @transform_2(%arg0: i32) -> (i32, i32) {
    %c0_i32 = arith.constant 0 : i32
    %c0_i32_0 = arith.constant 0 : i32
    return %c0_i32, %arg0 : i32, i32
  }
  func.func @transform_3(%arg0: i32) -> (i32, i32) {
    %c0_i32 = arith.constant 0 : i32
    %c0_i32_0 = arith.constant 0 : i32
    return %arg0, %c0_i32 : i32, i32
  }
  func.func @transform_4(%arg0: i32) -> (i32, i32) {
    %c0_i32 = arith.constant 0 : i32
    %c0_i32_0 = arith.constant 0 : i32
    %c0_i32_1 = arith.constant 0 : i32
    return %c0_i32, %c0_i32_0 : i32, i32
  }
  func.func @transform_5(%arg0: i32) -> (i32, i32) {
    %c0_i32 = arith.constant 0 : i32
    %c0_i32_0 = arith.constant 0 : i32
    %c0_i32_1 = arith.constant 0 : i32
    return %c0_i32, %c0_i32_0 : i32, i32
  }
  func.func @transform_6(%arg0: i32) -> (i32, i32) {
    %c0_i32 = arith.constant 0 : i32
    %c0_i32_0 = arith.constant 0 : i32
    %c0_i32_1 = arith.constant 0 : i32
    return %c0_i32, %c0_i32_0 : i32, i32
  }
  func.func @transform_7(%arg0: i32) -> (i32, i32) {
    %c0_i32 = arith.constant 0 : i32
    %c0_i32_0 = arith.constant 0 : i32
    %c0_i32_1 = arith.constant 0 : i32
    return %c0_i32, %c0_i32_0 : i32, i32
  }
  func.func @transform_8(%arg0: i32) -> (i32, i32) {
    %c0_i32 = arith.constant 0 : i32
    %c0_i32_0 = arith.constant 0 : i32
    %c0_i32_1 = arith.constant 0 : i32
    return %c0_i32, %c0_i32_0 : i32, i32
  }
  func.func @transform_9(%arg0: i32) -> (i32, i32) {
    %c0_i32 = arith.constant 0 : i32
    %c0_i32_0 = arith.constant 0 : i32
    return %arg0, %c0_i32 : i32, i32
  }
}

</mosaic_0001>

<sc_bundles>
// kernel: kernel.5.cloned.1.call-start
scs
__scs_entry_jumppad:
0x0: {  	(pc) =	sbr.rel $0x88, $3  }
0x1: {  	(tag) =	ssettag $0x0;
	lr =	simm.s32 $0x1  }
0x2: {  	[smem:$0x3F8F] =	sst lr;
	_ =	strace $0xD0000000  }
0x3: {  	_ = 	snop  }
0x4: {  	_ = 	snop  }
0x5: {  	_ = 	snop  }
0x6: {  	_ = 	snop  }
0x7: {  	_ = 	snop  }
__scs_overlays_trampoline_lowered:
0x8: {  	[smem:$0x3F9E] =	sst s0  }
0x9: {  	[smem:$0x3F9F] =	sst s1  }
0xa: {  	[smem:$0x3FA0] =	sst s2  }
0xb: {  	[smem:$0x3FA1] =	sst s3  }
0xc: {  	[smem:$0x3FA2] =	sst s4  }
0xd: {  	[smem:$0x3FA3] =	sst s5  }
0xe: {  	[smem:$0x3FA4] =	sst s6  }
0xf: {  	[smem:$0x3FA5] =	sst s7  }
0x10: {  	[smem:$0x3FA6] =	sst s8  }
0x11: {  	[smem:$0x3FA7] =	sst s9;
	s0 =	simm.s32 @!p0 $0x0  }
0x12: {  	s1 =	sld [smem:$0x3F8D];
	s0 =	simm.s32 @p0 $0x1  }
0x13: {  	[smem:$0x3FA8] =	sst s0;
	s0 =	simm.s32 @!p1 $0x0  }
0x14: {  	s2 =	sld [smem:$0x3F8C];
	s0 =	simm.s32 @p1 $0x1  }
0x15: {  	[smem:$0x3FA9] =	sst s0;
	s0 =	simm.s32 @!p2 $0x0  }
0x16: {  	s3 =	sld [smem:$0x3FDB];
	s0 =	simm.s32 @p2 $0x1  }
0x17: {  	s4 =	simm.s32 $0x1BF5;
	[smem:$0x3FAB] =	sst s0  }
0x18: {  	s0 =	sld [smem:$0x3F8E];
	_ =	swait.ge [sflag:s4], $0x0  }
0x19: {  	s7 =	sld [smem:$0x3F8F]  }
0x1a: {  	s8 =	sadd.s32 $0xFFFFE003, lr  }
0x1b: {  	s9 =	sadd.s32 $0xFFFFFEF7, lr;
	s5 =	simm.s32 $0xFFFFFFFF;
	p2 =	slt.u32 s8, $0xFFFFF086  }
0x1c: {  	p1 =	slt.u32 s9, $0xF7A;
	s5 =	simm.s32 @!p2 $0x0  }
0x1d: {  	s5 =	simm.s32 @p1 $0x1;
	p0 =	seq.s32 s7, s2  }
0x1e: {  	s7 =	smul.u32 @!p0 $0xF7A, s2;
	p2 =	seq.s32 @!p0 s5, $0x0  }
0x1f: {  	s9 =	smul.u32 $0xF7A, s1;
	s8 =	simm.s32 @!p0 $0x1BF5;
	p2 =	por !p2, p0  }
0x20: {  	[sflag:s8] =	ssyncset.s32 @!p0 $0xFFFFF086;
	s6 =	sadd.s32 @!p0 s3, s7;
	s7 =	simm.s32 @!p0 $0x108  }
0x21: {  	s3 =	sadd.s32 s3, s9;
	s6 =	sadd.s32 @!p0 $0x88, s6;
	s7 =	simm.s32 @p2 $0x1082  }
0x22: {  	[simem:s7], [sflag:s8] =	dma.local @!p0 [hbm:s6], $0xF7A  }
0x23: {  	s9 =	sor.u32 $0xD0000000, s2;
	s6 =	simm.s32 $0x108;
	_ =	swait.ge @!p0 [sflag:s8], $0x0  }
0x24: {  	s3 =	sadd.s32 $0x88, s3;
	s6 =	simm.s32 @!p1 $0x1082;
	[sflag:s4] =	ssyncset.s32 $0xFFFFF086  }
0x25: {  	[simem:s6], [sflag:s4] =	dma.local [hbm:s3], $0xF7A  }
0x26: {  	[smem:$0x3F8F] =	sst s1;
	(tag) =	ssettag s2;
	_ =	strace s9  }
0x27: {  	s1 =	sld [smem:$0x3F9F]  }
0x28: {  	s2 =	sld [smem:$0x3FA0]  }
0x29: {  	s4 =	sld [smem:$0x3FA2]  }
0x2a: {  	p0 =	seq.s32 s5, $0x0;
	s5 =	sld [smem:$0x3FA3]  }
0x2b: {  	s6 =	sld [smem:$0x3FA4]  }
0x2c: {  	s7 =	sld [smem:$0x3FA5]  }
0x2d: {  	s3 =	simm.s32 $0x108;
	s8 =	sld [smem:$0x3FA6]  }
0x2e: {  	s3 =	simm.s32 @!p0 $0x1082;
	s9 =	sld [smem:$0x3FA7]  }
0x2f: {  	lr =	sadd.s32 s0, s3;
	s0 =	sld [smem:$0x3F9E]  }
0x30: {  	s3 =	sld [smem:$0x3FA1]  }
0x31: {  	[smem:$0x3FAA] =	sst s10  }
0x32: {  	s10 =	sld [smem:$0x3FA8];
	_ =	sdelay $0x3  }
0x33: {  	p0 =	seq.s32 s10, $0x1;
	s10 =	sld [smem:$0x3FAA];
	_ =	sdelay $0x3  }
0x34: {  	[smem:$0x3FAA] =	sst s10  }
0x35: {  	s10 =	sld [smem:$0x3FA9];
	_ =	sdelay $0x3  }
0x36: {  	p1 =	seq.s32 s10, $0x1;
	s10 =	sld [smem:$0x3FAA];
	_ =	sdelay $0x3  }
0x37: {  	[smem:$0x3FAA] =	sst s10  }
0x38: {  	s10 =	sld [smem:$0x3FAB]  }
0x39: {  	_ = 	snop;
	(pc) =	sbr.ind lr, $3  }
0x3a: {  	_ = 	snop  }
0x3b: {  	_ = 	snop  }
0x3c: {  	p2 =	seq.s32 s10, $0x1;
	s10 =	sld [smem:$0x3FAA]  }
0x3d: {  	_ =	shalt  }
0x3e: {  	_ =	shalt  }
0x3f: {  	_ =	shalt  }
0x40: {  	_ =	shalt  }
0x41: {  	_ =	shalt  }
0x42: {  	_ =	shalt  }
0x43: {  	_ =	shalt  }
0x44: {  	_ =	shalt  }
0x45: {  	_ =	shalt  }
0x46: {  	_ =	shalt  }
0x47: {  	_ =	shalt  }
0x48: {  	_ =	shalt  }
0x49: {  	_ =	shalt  }
0x4a: {  	_ =	shalt  }
0x4b: {  	_ =	shalt  }
0x4c: {  	_ =	shalt  }
0x4d: {  	_ =	shalt  }
0x4e: {  	_ =	shalt  }
0x4f: {  	_ =	shalt  }
0x50: {  	_ =	shalt  }
0x51: {  	_ =	shalt  }
0x52: {  	_ =	shalt  }
0x53: {  	_ =	shalt  }
0x54: {  	_ =	shalt  }
0x55: {  	_ =	shalt  }
0x56: {  	_ =	shalt  }
0x57: {  	_ =	shalt  }
0x58: {  	_ =	shalt  }
0x59: {  	_ =	shalt  }
0x5a: {  	_ =	shalt  }
0x5b: {  	_ =	shalt  }
0x5c: {  	_ =	shalt  }
0x5d: {  	_ =	shalt  }
0x5e: {  	_ =	shalt  }
0x5f: {  	_ =	shalt  }
0x60: {  	_ =	shalt  }
0x61: {  	_ =	shalt  }
0x62: {  	_ =	shalt  }
0x63: {  	_ =	shalt  }
0x64: {  	_ =	shalt  }
0x65: {  	_ =	shalt  }
0x66: {  	_ =	shalt  }
0x67: {  	_ =	shalt  }
0x68: {  	_ =	shalt  }
0x69: {  	_ =	shalt  }
0x6a: {  	_ =	shalt  }
0x6b: {  	_ =	shalt  }
0x6c: {  	_ =	shalt  }
0x6d: {  	_ =	shalt  }
0x6e: {  	_ =	shalt  }
0x6f: {  	_ =	shalt  }
0x70: {  	_ =	shalt  }
0x71: {  	_ =	shalt  }
0x72: {  	_ =	shalt  }
0x73: {  	_ =	shalt  }
0x74: {  	_ =	shalt  }
0x75: {  	_ =	shalt  }
0x76: {  	_ =	shalt  }
0x77: {  	_ =	shalt  }
0x78: {  	_ =	shalt  }
0x79: {  	_ =	shalt  }
0x7a: {  	_ =	shalt  }
0x7b: {  	_ =	shalt  }
0x7c: {  	_ =	shalt  }
0x7d: {  	_ =	shalt  }
0x7e: {  	_ =	shalt  }
0x7f: {  	_ =	shalt  }
0x80: {  	_ =	shalt  }
0x81: {  	_ =	shalt  }
0x82: {  	_ =	shalt  }
0x83: {  	_ =	shalt  }
0x84: {  	_ =	shalt  }
0x85: {  	_ =	shalt  }
0x86: {  	_ =	shalt  }
0x87: {  	_ =	shalt  }
.Lfunc_end0:
.L_simem_size_0:
called_computation_lowered:
.L_overlay_start_0:
0x88: {  	s2 =	sld [smem:$0x3FD9]  }
0x89: {  	s3 =	sld [smem:$0x3FFE];
	_ =	sdelay $0x1  }
0x8a: {  	s1 =	srdreg.scid  }
0x8b: {  	s0 =	sand.u32 $0x1, s1  }
0x8c: {  	s17 =	sshll.u32 s0, $0xA;
	s2 =	sadd.s32 s3, s2  }
0x8d: {  	s2 =	sadd.s32 s2, s17  }
0x8e: {  	[smem:$0x3FB6] =	sst s2  }
0x8f: {  	_ = 	snop  }
0x90: {  	s2 =	sld [smem:$0x3FC9]  }
0x91: {  	s18 =	sld [smem:$0x3FC8]  }
0x92: {  	s4 =	sld [smem:$0x3FC7]  }
0x93: {  	s5 =	sld [smem:$0x3FC6]  }
0x94: {  	s6 =	sld [smem:$0x3FC5]  }
0x95: {  	s7 =	sld [smem:$0x3FC2]  }
0x96: {  	s8 =	sld [smem:$0x3FC1]  }
0x97: {  	s9 =	sld [smem:$0x3FD0];
	(tm) =	ssettm $0x1  }
0x98: {  	s10 =	sld [smem:$0x3FFB];
	_ =	sdelay $0x3  }
0x99: {  	_ =	strace s10  }
0x9a: {  	s10 =	sld [smem:$0x3FFC];
	_ =	sdelay $0x3  }
0x9b: {  	_ =	strace s10  }
0x9c: {  	s10 =	sld [smem:$0x3FFD];
	_ =	sdelay $0x3  }
0x9d: {  	_ =	strace s10  }
0x9e: {  	_ =	strace $0x8FFFFFFF  }
0x9f: {  	s19 =	sld [smem:$0x3FDB];
	_ =	sdelay $0x1  }
0xa0: {  	s11 =	simm.s32 $_scs_section_size  }
0xa1: {  	s12 =	simm.s32 $_size__tile_overlayer_lowered;
	s13 =	simm.s32 $_tile_overlayer_lowered  }
0xa2: {  	s22 =	simm.s32 $0x1BFF;
	s21 =	sshll.u32 s13, $0x1;
	s10 =	sadd.s32 s11, s19  }
0xa3: {  	s14 =	simm.s32 $0x0;
	s20 =	sshll.u32 s12, $0x1;
	s12 =	sadd.s32 s21, s10  }
0xa4: {  	[timem:s14], [sflag:s22] =	dma.local [hbm:s12], s20  }
0xa5: {  	_ =	swait.ge [sflag:s22], s20  }
0xa6: {  	s11 =	ssub.s32 $0x0, s20;
	[sflag:s22] =	ssyncset.done $0x0  }
0xa7: {  	[sflag:s22] =	ssyncadd.s32 s11;
	_ =	sdelay $0x1  }
0xa8: {  	s23 =	simm.s32 $0x1B8B  }
0xa9: {  	_ =	swait.ge [sflag:s23], $0x1  }
0xaa: {  	[sflag:s23] =	ssyncset.done $0x0  }
0xab: {  	s25 =	simm.s32 $0x1B8E;
	s24 =	sld [smem:$0x3FFE];
	[sflag:s23] =	ssyncadd.s32 $0xFFFFFFFF  }
0xac: {  	s26 =	simm.s32 $execute0_lowered;
	[smem:$0x3FD2] =	sst s25  }
0xad: {  	s12 =	sshll.u32 s26, $0x1;
	_ =	strace $0x80000046;
	[dreg:$0x1] =	wrdreg $0xFFFFFFFF  }
0xae: {  	s28 =	simm.s32 $_size_execute0_lowered;
	s10 =	sadd.s32 s10, s12;
	[dreg:$0x0] =	wrdreg $0x0  }
0xaf: {  	s12 =	sshll.u32 s28, $0x1;
	[dreg:$0x2] =	wrdreg s10  }
0xb0: {  	[dreg:$0x3] =	wrdreg s12  }
0xb1: {  	[dreg:$0x4] =	wrdreg $0xC0  }
0xb2: {  	_ =	task [dreg:s14], $0x5FFFF  }
0xb3: {  	[dreg:$0x1] =	wrdreg $0xFFFFFFFF  }
0xb4: {  	[dreg:$0x0] =	wrdreg $0x60  }
0xb5: {  	[dreg:$0x2] =	wrdreg s2  }
0xb6: {  	[dreg:$0x3] =	wrdreg s18  }
0xb7: {  	[dreg:$0x4] =	wrdreg s4  }
0xb8: {  	[dreg:$0x5] =	wrdreg s5  }
0xb9: {  	[dreg:$0x6] =	wrdreg s6  }
0xba: {  	[dreg:$0x7] =	wrdreg s7  }
0xbb: {  	[dreg:$0x8] =	wrdreg s8  }
0xbc: {  	[dreg:$0x9] =	wrdreg s9  }
0xbd: {  	[dreg:$0xa] =	wrdreg s24  }
0xbe: {  	[dreg:$0xb] =	wrdreg $0x9  }
0xbf: {  	_ =	task.clear_ibuf [dreg:s14], $0xCFFFF;
	_ =	strace $0x90000046  }
0xc0: {  	s29 =	simm.s32 $0x9;
	_ =	strace $0x80000048  }
0xc1: {  	_ =	swait.ge [sflag:s29], $0x1  }
0xc2: {  	[sflag:s29] =	ssyncadd.s32 $0xFFFFFFFF  }
0xc3: {  	_ =	strace $0x90000048  }
0xc4: {  	_ =	sfence  }
0xc5: {  	s30 =	sld [smem:$0x0];
	_ =	sdelay $0x2  }
0xc6: {  	s31 =	sshll.u32 s1, $0xD;
	s1 =	sshrl.u32 s1, $0x2  }
0xc7: {  	s3 =	sand.u32 $0x4000, s31;
	s1 =	sadd.s32 s1, s30  }
0xc8: {  	s0 =	sor.u32 s3, s0;
	s1 =	sshll.u32 s1, $0x11  }
0xc9: {  	s0 =	sor.u32 s1, s0  }
0xca: {  	s0 =	sadd.s32 $0x8F2B, s0  }
0xcb: {  	[sflag:s0] =	ssyncadd.remote.s32 $0x1  }
0xcc: {  	_ =	sfence.sel $0xFFFF  }
0xcd: {  	[dreg:$0x0] =	wrdreg $0xFFFFFFFF;
	(pc) =	sbr.abs _section_cstart, $3  }
0xce: {  	[dreg:$0x1] =	wrdreg $0xFFFFFFFF  }
0xcf: {  	_ =	task.clear_ibuf [dreg:s14], $0x2FFFF;
	_ =	strace $0x9FFFFFFF  }
0xd0: {  	(tm) =	ssettm $0x7FFFFFFF  }
0xd1: {  	_ =	shalt  }
tec
execute0_lowered:
.L_overlay_start_1:
0x0: {  	(tag) =	ssettag $0x1  }
0x1: {  	s0 =	rddreg [dreg:$0x0]  }
0x2: {  	s3 =	rddreg [dreg:$0x1]  }
0x3: {  	s4 =	rddreg [dreg:$0x2]  }
0x4: {  	s6 =	rddreg [dreg:$0x3]  }
0x5: {  	s7 =	rddreg [dreg:$0x4]  }
0x6: {  	s1 =	rddreg [dreg:$0x5]  }
0x7: {  	s2 =	rddreg [dreg:$0x6]  }
0x8: {  	s8 =	rddreg [dreg:$0x8]  }
0x9: {  	s5 =	simm.s32 $0x0;
	s9 =	srdreg.scid;
	s16 =	stileid.u32  }
0xa: {  	s15 =	simm.s32 $0x1;
	s28 =	simm.s32 $0x3;
	s29 =	simm.s32 $0x80  }
0xb: {  	s30 =	simm.s32 $0x400;
	s31 =	simm.s32 $0x4400;
	[smem:$0x7FF] =	sst s5  }
0xc: {  	s9 =	sand.u32 $0x1, s9;
	s10 =	sshll.u32 s16, $0x1;
	s11 =	sadd.s32 $0x1000, s8  }
0xd: {  	s19 =	sadd.s32 $0x1800, s8;
	_ =	strace $0x80000047;
	[dreg:$0xa] =	wrdreg s11  }
0xe: {  	s10 =	sor.u32 s9, s10;
	[dreg:$0xb] =	wrdreg s19;
	p1 =	seq.s32 s9, $0x1  }
0xf: {  	s13 =	ssub.s32 $0x2, s9;
	s20 =	sshll.u32 s10, $0xE;
	p0 =	seq.s32 s10, $0x0  }
0x10: {  	s12 =	sshll.u32 s10, $0x9;
	s14 =	sshrl.u32 s13, $0x1;
	s10 =	sshll.u32 s10, $0x6  }
0x11: {  	s11 =	sadd.s32 s20, s8;
	p0 =	por !p0, !p1;
	s22 =	sadd.s32 s12, s8  }
0x12: {  	s13 =	ssub.s32 s13, s14;
	s8 =	simm.s32 $0x1;
	s4 =	sadd.s32 s4, s10  }
0x13: {  	s23 =	sadd.s32 s6, s10;
	s25 =	sadd.s32 s7, s10;
	[dreg:$0xc] =	wrdreg s4  }
0x14: {  	s12 =	sshll.u32 s9, $0x9;
	p0 =	por !p0, !p0;
	[dreg:$0xd] =	wrdreg s23  }
0x15: {  	[dreg:$0xe] =	wrdreg s25;
	s14 =	sor.u32 $0x80, s12;
	s26 =	sadd.s32 $0x1A000, s11  }
0x16: {  	s17 =	sor.u32 $0x180, s12;
	s18 =	sadd.s32 $0x1C000, s11;
	s20 =	sadd.s32 $0x1A080, s11  }
0x17: {  	s22 =	sadd.s32 $0x2000, s22;
	s23 =	smax.u32 s13, $0x1;
	s15 =	simm.s32 @!p0 $0x0  }
0x18: {  	s25 =	simm.s32 $0xC280;
	[dreg:$0x10] =	wrdreg s26;
	s21 =	ssub.s32 s16, s15  }
0x19: {  	s26 =	simm.s32 $0x10100;
	s16 =	sor.u32 $0x100, s12;
	s24 =	sshll.u32 s21, $0x7  }
0x1a: {  	s21 =	sadd.s32 $0x1C080, s11;
	s4 =	sand.u32 $0x1FFFFF80, s24;
	s24 =	simm.s32 $0x8400  }
0x1b: {  	s0 =	sadd.s32 s0, s4;
	s19 =	sadd.s32 s3, s4;
	s4 =	simm.s32 $0x2  }
0x1c: {  	s3 =	simm.s32 $0x0;
	[dreg:$0xf] =	wrdreg s0;
	s0 =	simm.s32 $0x800  }
.LBB2_1:
0x1d: {  	s6 =	rddreg [dreg:$0x7]  }
0x1e: {  	[tilespmem:s24], [sflag:$0x2] =	stream.linear.gather [hbm4b:s6+s5], $0x3E80, $0x38;
	[tilespmem:$0x1A580] =	vst v63  }
0x1f: {  	s10 =	rddreg [dreg:$0xa]  }
0x20: {  	[tilespmem:s25], [sflag:$0x2] =	stream.linear.gather [hbm4b:s10+s5], $0x3E80, $0x38;
	[tilespmem:$0x1A580] =	vst v63  }
0x21: {  	s11 =	rddreg [dreg:$0xb]  }
0x22: {  	[tilespmem:s26], [sflag:$0x2] =	stream.linear.gather [hbm4b:s11+s5], $0x3E80, $0x38;
	[tilespmem:$0x1A580] =	vst v63  }
0x23: {  	s7 =	rddreg [dreg:$0xc];
	s6 =	simm.s32 $0x13F80  }
0x24: {  	[tilespmem:s6], [sflag:$0x2] =	stream.linear.gather [hbm4b:s7+s5], $0x200, $0x38;
	[tilespmem:$0x1A580] =	vst v63  }
0x25: {  	s9 =	rddreg [dreg:$0xd];
	s7 =	simm.s32 $0x14180  }
0x26: {  	[tilespmem:s7], [sflag:$0x2] =	stream.linear.gather [hbm4b:s9+s5], $0x200, $0x38;
	[tilespmem:$0x1A580] =	vst v63  }
0x27: {  	s10 =	rddreg [dreg:$0xe];
	s9 =	simm.s32 $0x14380  }
0x28: {  	[tilespmem:s9], [sflag:$0x2] =	stream.linear.gather [hbm4b:s10+s5], $0x200, $0x38;
	[tilespmem:$0x1A580] =	vst v63  }
0x29: {  	s13 =	rddreg [dreg:$0xf]  }
0x2a: {  	[tilespmem:s5], [sflag:$0x3] =	stream.linear.gather [hbm4b:s13+s5], $0x400, $0x38;
	[tilespmem:$0x1A580] =	vst v63  }
0x2b: {  	_ =	swait.ge [sflag:s28], $0x400  }
0x2c: {  	[sflag:s28] =	ssyncset.done $0x0  }
0x2d: {  	[sflag:s28] =	ssyncadd.s32 $0xFFFFFC00  }
0x2e: {  	[tilespmem:s30], [sflag:$0x1] =	stream.indirect.gather [hbm4b:s1+s29], $0x80, s12, s29, $0xb8;
	[tilespmem:$0x1A580] =	vst v63  }
0x2f: {  	_ = 	snop  }
0x30: {  	[tilespmem:s31], [sflag:$0x1] =	stream.indirect.gather [hbm4b:s1+s29], $0x80, s14, s29, $0xb8;
	[tilespmem:$0x1A580] =	vst v63  }
0x31: {  	_ =	swait.ge [sflag:s8], $0x4000  }
0x32: {  	[sflag:s8] =	ssyncset.done $0x0  }
0x33: {  	[sflag:s8] =	ssyncadd.s32 $0xFFFFC000  }
0x34: {  	_ =	swait.ge [sflag:s8], $0x4000  }
0x35: {  	[sflag:s8] =	ssyncset.done $0x0  }
0x36: {  	s15 =	rddreg [dreg:$0x10];
	[sflag:s8] =	ssyncadd.s32 $0xFFFFC000  }
0x37: {  	[hbm4b:s15+s30] =	stream.strided.scatter [tilespmem:s30], [sflag:$0x3], $0x8000, s0, s30, $0x38;
	[tilespmem:$0x1A580] =	vst v63  }
0x38: {  	_ =	swait.ge [sflag:s28], $0x8000  }
0x39: {  	[sflag:s28] =	ssyncset.done $0x0  }
0x3a: {  	[sflag:s28] =	ssyncadd.s32 $0xFFFF8000  }
0x3b: {  	[tilespmem:s30], [sflag:$0x1] =	stream.indirect.gather [hbm4b:s1+s29], $0x80, s16, s29, $0xb8;
	[tilespmem:$0x1A580] =	vst v63  }
0x3c: {  	_ = 	snop  }
0x3d: {  	[tilespmem:s31], [sflag:$0x1] =	stream.indirect.gather [hbm4b:s1+s29], $0x80, s17, s29, $0xb8;
	[tilespmem:$0x1A580] =	vst v63  }
0x3e: {  	_ =	swait.ge [sflag:s8], $0x4000  }
0x3f: {  	[sflag:s8] =	ssyncset.done $0x0  }
0x40: {  	[sflag:s8] =	ssyncadd.s32 $0xFFFFC000  }
0x41: {  	_ =	swait.ge [sflag:s8], $0x4000  }
0x42: {  	[sflag:s8] =	ssyncset.done $0x0  }
0x43: {  	[sflag:s8] =	ssyncadd.s32 $0xFFFFC000  }
0x44: {  	[hbm4b:s18+s30] =	stream.strided.scatter [tilespmem:s30], [sflag:$0x3], $0x8000, s0, s30, $0x38;
	[tilespmem:$0x1A580] =	vst v63  }
0x45: {  	_ =	swait.ge [sflag:s28], $0x8000  }
0x46: {  	[sflag:s28] =	ssyncset.done $0x0  }
0x47: {  	[sflag:s28] =	ssyncadd.s32 $0xFFFF8000  }
0x48: {  	[tilespmem:s5], [sflag:$0x3] =	stream.linear.gather [hbm4b:s19+s5], $0x400, $0x38;
	[tilespmem:$0x1A580] =	vst v63  }
0x49: {  	_ =	swait.ge [sflag:s28], $0x400  }
0x4a: {  	[sflag:s28] =	ssyncset.done $0x0  }
0x4b: {  	[sflag:s28] =	ssyncadd.s32 $0xFFFFFC00  }
0x4c: {  	[tilespmem:s30], [sflag:$0x1] =	stream.indirect.gather [hbm4b:s2+s29], $0x80, s12, s29, $0xb8;
	[tilespmem:$0x1A580] =	vst v63  }
0x4d: {  	_ = 	snop  }
0x4e: {  	[tilespmem:s31], [sflag:$0x1] =	stream.indirect.gather [hbm4b:s2+s29], $0x80, s14, s29, $0xb8;
	[tilespmem:$0x1A580] =	vst v63  }
0x4f: {  	_ =	swait.ge [sflag:s8], $0x4000  }
0x50: {  	[sflag:s8] =	ssyncset.done $0x0  }
0x51: {  	[sflag:s8] =	ssyncadd.s32 $0xFFFFC000  }
0x52: {  	_ =	swait.ge [sflag:s8], $0x4000  }
0x53: {  	[sflag:s8] =	ssyncset.done $0x0  }
0x54: {  	[sflag:s8] =	ssyncadd.s32 $0xFFFFC000  }
0x55: {  	[hbm4b:s20+s30] =	stream.strided.scatter [tilespmem:s30], [sflag:$0x3], $0x8000, s0, s30, $0x38;
	[tilespmem:$0x1A580] =	vst v63  }
0x56: {  	_ =	swait.ge [sflag:s28], $0x8000  }
0x57: {  	[sflag:s28] =	ssyncset.done $0x0  }
0x58: {  	[sflag:s28] =	ssyncadd.s32 $0xFFFF8000  }
0x59: {  	[tilespmem:s30], [sflag:$0x1] =	stream.indirect.gather [hbm4b:s2+s29], $0x80, s16, s29, $0xb8;
	[tilespmem:$0x1A580] =	vst v63  }
0x5a: {  	_ = 	snop  }
0x5b: {  	[tilespmem:s31], [sflag:$0x1] =	stream.indirect.gather [hbm4b:s2+s29], $0x80, s17, s29, $0xb8;
	[tilespmem:$0x1A580] =	vst v63  }
0x5c: {  	_ =	swait.ge [sflag:s8], $0x4000  }
0x5d: {  	[sflag:s8] =	ssyncset.done $0x0  }
0x5e: {  	[sflag:s8] =	ssyncadd.s32 $0xFFFFC000  }
0x5f: {  	_ =	swait.ge [sflag:s8], $0x4000  }
0x60: {  	[sflag:s8] =	ssyncset.done $0x0  }
0x61: {  	[sflag:s8] =	ssyncadd.s32 $0xFFFFC000  }
0x62: {  	[hbm4b:s21+s30] =	stream.strided.scatter [tilespmem:s30], [sflag:$0x3], $0x8000, s0, s30, $0x38;
	[tilespmem:$0x1A580] =	vst v63  }
0x63: {  	_ =	swait.ge [sflag:s28], $0x8000  }
0x64: {  	[sflag:s28] =	ssyncset.done $0x0  }
0x65: {  	[sflag:s28] =	ssyncadd.s32 $0xFFFF8000  }
0x66: {  	_ =	swait.ge [sflag:s4], $0x3E80  }
0x67: {  	[sflag:s4] =	ssyncset.done $0x0  }
0x68: {  	[sflag:s4] =	ssyncadd.s32 $0xFFFFC180  }
0x69: {  	_ =	swait.ge [sflag:s4], $0x3E80  }
0x6a: {  	[sflag:s4] =	ssyncset.done $0x0  }
0x6b: {  	[sflag:s4] =	ssyncadd.s32 $0xFFFFC180  }
0x6c: {  	_ =	swait.ge [sflag:s4], $0x3E80  }
0x6d: {  	[sflag:s4] =	ssyncset.done $0x0  }
0x6e: {  	[sflag:s4] =	ssyncadd.s32 $0xFFFFC180  }
0x6f: {  	_ =	swait.ge [sflag:s4], $0x200  }
0x70: {  	[sflag:s4] =	ssyncset.done $0x0  }
0x71: {  	[sflag:s4] =	ssyncadd.s32 $0xFFFFFE00  }
0x72: {  	_ =	swait.ge [sflag:s4], $0x200  }
0x73: {  	[sflag:s4] =	ssyncset.done $0x0  }
0x74: {  	[sflag:s4] =	ssyncadd.s32 $0xFFFFFE00  }
0x75: {  	_ =	swait.ge [sflag:s4], $0x200  }
0x76: {  	[sflag:s4] =	ssyncset.done $0x0  }
0x77: {  	s11 =	simm.s32 $0x0;
	s10 =	simm.s32 $0x0;
	[sflag:s4] =	ssyncadd.s32 $0xFFFFFE00  }
.LBB2_2:
0x78: {  	v0 =	vld [tilespmem:s6+$0x0];
	_ =	sdelay $0x4  }
0x79: {  	v0 =	vshll.u32 v0, $0x4;
	_ =	sdelay $0x4  }
0x7a: {  	v1 =	vld.idx.msk [tilespmem:v0+s24+$0x0], $0xffff  }
0x7b: {  	v2 =	vor.u32 $0x1, v0;
	_ =	sdelay $0x1  }
0x7c: {  	s13 =	sand.u32 $0x70, s11;
	s15 =	sand.u32 $0xC00, s10  }
0x7d: {  	s13 =	sor.u32 s13, s15  }
0x7e: {  	[tilespmem:s13+$0x14580] =	vst v1  }
0x7f: {  	v1 =	vld.idx.msk [tilespmem:v2+s24+$0x0], $0xffff  }
0x80: {  	v23 =	vor.u32 $0x2, v0;
	_ =	sdelay $0x2  }
0x81: {  	s15 =	sadd.s32 $0x14580, s13  }
0x82: {  	[tilespmem:s15+$0x80] =	vst v1  }
0x83: {  	v1 =	vld.idx.msk [tilespmem:v23+s24+$0x0], $0xffff  }
0x84: {  	v24 =	vor.u32 $0x3, v0;
	_ =	sdelay $0x3  }
0x85: {  	[tilespmem:s15+$0x100] =	vst v1  }
0x86: {  	v1 =	vld.idx.msk [tilespmem:v24+s24+$0x0], $0xffff  }
0x87: {  	v25 =	vor.u32 $0x4, v0;
	_ =	sdelay $0x3  }
0x88: {  	[tilespmem:s15+$0x180] =	vst v1  }
0x89: {  	v1 =	vld.idx.msk [tilespmem:v25+s24+$0x0], $0xffff  }
0x8a: {  	v26 =	vor.u32 $0x5, v0;
	_ =	sdelay $0x3  }
0x8b: {  	[tilespmem:s15+$0x200] =	vst v1  }
0x8c: {  	v1 =	vld.idx.msk [tilespmem:v26+s24+$0x0], $0xffff  }
0x8d: {  	v27 =	vor.u32 $0x6, v0;
	_ =	sdelay $0x3  }
0x8e: {  	[tilespmem:s15+$0x280] =	vst v1  }
0x8f: {  	v1 =	vld.idx.msk [tilespmem:v27+s24+$0x0], $0xffff  }
0x90: {  	v28 =	vor.u32 $0x7, v0;
	_ =	sdelay $0x3  }
0x91: {  	[tilespmem:s15+$0x300] =	vst v1  }
0x92: {  	v1 =	vld.idx.msk [tilespmem:v28+s24+$0x0], $0xffff  }
0x93: {  	v29 =	vor.u32 $0x8, v0;
	_ =	sdelay $0x1  }
0x94: {  	s15 =	sor.u32 s10, s11  }
0x95: {  	s15 =	sor.u32 $0x380, s15  }
0x96: {  	[tilespmem:s15+$0x14580] =	vst v1  }
0x97: {  	v1 =	vld.idx.msk [tilespmem:v29+s24+$0x0], $0xffff  }
0x98: {  	v30 =	vor.u32 $0x9, v0;
	_ =	sdelay $0x3  }
0x99: {  	[tilespmem:s13+$0x15580] =	vst v1  }
0x9a: {  	v1 =	vld.idx.msk [tilespmem:v30+s24+$0x0], $0xffff  }
0x9b: {  	v31 =	vor.u32 $0xA, v0;
	_ =	sdelay $0x3  }
0x9c: {  	[tilespmem:s13+$0x15600] =	vst v1  }
0x9d: {  	v1 =	vld.idx.msk [tilespmem:v31+s24+$0x0], $0xffff  }
0x9e: {  	v32 =	vor.u32 $0xB, v0;
	_ =	sdelay $0x3  }
0x9f: {  	[tilespmem:s13+$0x15680] =	vst v1  }
0xa0: {  	v1 =	vld.idx.msk [tilespmem:v32+s24+$0x0], $0xffff  }
0xa1: {  	v33 =	vor.u32 $0xC, v0;
	_ =	sdelay $0x3  }
0xa2: {  	[tilespmem:s13+$0x15700] =	vst v1  }
0xa3: {  	v1 =	vld.idx.msk [tilespmem:v33+s24+$0x0], $0xffff  }
0xa4: {  	v34 =	vor.u32 $0xD, v0;
	_ =	sdelay $0x3  }
0xa5: {  	[tilespmem:s13+$0x15780] =	vst v1  }
0xa6: {  	v1 =	vld.idx.msk [tilespmem:v34+s24+$0x0], $0xffff  }
0xa7: {  	v35 =	vor.u32 $0xE, v0;
	_ =	sdelay $0x3  }
0xa8: {  	[tilespmem:s13+$0x15800] =	vst v1  }
0xa9: {  	v1 =	vld.idx.msk [tilespmem:v35+s24+$0x0], $0xffff  }
0xaa: {  	v0 =	vor.u32 $0xF, v0;
	_ =	sdelay $0x3  }
0xab: {  	[tilespmem:s13+$0x15880] =	vst v1  }
0xac: {  	v0 =	vld.idx.msk [tilespmem:v0+s24+$0x0], $0xffff;
	_ =	sdelay $0x4  }
0xad: {  	[tilespmem:s13+$0x15900] =	vst v0  }
0xae: {  	v0 =	vld [tilespmem:s7+$0x0];
	_ =	sdelay $0x4  }
0xaf: {  	v0 =	vshll.u32 v0, $0x4;
	_ =	sdelay $0x4  }
0xb0: {  	v1 =	vld.idx.msk [tilespmem:v0+s25+$0x0], $0xffff  }
0xb1: {  	v36 =	vor.u32 $0x1, v0;
	_ =	sdelay $0x3  }
0xb2: {  	[tilespmem:s13+$0x16580] =	vst v1  }
0xb3: {  	v1 =	vld.idx.msk [tilespmem:v36+s25+$0x0], $0xffff  }
0xb4: {  	v37 =	vor.u32 $0x2, v0;
	_ =	sdelay $0x3  }
0xb5: {  	[tilespmem:s13+$0x16600] =	vst v1  }
0xb6: {  	v1 =	vld.idx.msk [tilespmem:v37+s25+$0x0], $0xffff  }
0xb7: {  	v38 =	vor.u32 $0x3, v0;
	_ =	sdelay $0x3  }
0xb8: {  	[tilespmem:s13+$0x16680] =	vst v1  }
0xb9: {  	v1 =	vld.idx.msk [tilespmem:v38+s25+$0x0], $0xffff  }
0xba: {  	v39 =	vor.u32 $0x4, v0;
	_ =	sdelay $0x3  }
0xbb: {  	[tilespmem:s13+$0x16700] =	vst v1  }
0xbc: {  	v1 =	vld.idx.msk [tilespmem:v39+s25+$0x0], $0xffff  }
0xbd: {  	v40 =	vor.u32 $0x5, v0;
	_ =	sdelay $0x3  }
0xbe: {  	[tilespmem:s13+$0x16780] =	vst v1  }
0xbf: {  	v1 =	vld.idx.msk [tilespmem:v40+s25+$0x0], $0xffff  }
0xc0: {  	v41 =	vor.u32 $0x6, v0;
	_ =	sdelay $0x3  }
0xc1: {  	[tilespmem:s13+$0x16800] =	vst v1  }
0xc2: {  	v1 =	vld.idx.msk [tilespmem:v41+s25+$0x0], $0xffff  }
0xc3: {  	v42 =	vor.u32 $0x7, v0;
	_ =	sdelay $0x3  }
0xc4: {  	[tilespmem:s13+$0x16880] =	vst v1  }
0xc5: {  	v1 =	vld.idx.msk [tilespmem:v42+s25+$0x0], $0xffff  }
0xc6: {  	v43 =	vor.u32 $0x8, v0;
	_ =	sdelay $0x3  }
0xc7: {  	[tilespmem:s13+$0x16900] =	vst v1  }
0xc8: {  	v1 =	vld.idx.msk [tilespmem:v43+s25+$0x0], $0xffff  }
0xc9: {  	v44 =	vor.u32 $0x9, v0;
	_ =	sdelay $0x3  }
0xca: {  	[tilespmem:s13+$0x17580] =	vst v1  }
0xcb: {  	v1 =	vld.idx.msk [tilespmem:v44+s25+$0x0], $0xffff  }
0xcc: {  	v45 =	vor.u32 $0xA, v0;
	_ =	sdelay $0x3  }
0xcd: {  	[tilespmem:s13+$0x17600] =	vst v1  }
0xce: {  	v1 =	vld.idx.msk [tilespmem:v45+s25+$0x0], $0xffff  }
0xcf: {  	v46 =	vor.u32 $0xB, v0;
	_ =	sdelay $0x3  }
0xd0: {  	[tilespmem:s13+$0x17680] =	vst v1  }
0xd1: {  	v1 =	vld.idx.msk [tilespmem:v46+s25+$0x0], $0xffff  }
0xd2: {  	v47 =	vor.u32 $0xC, v0;
	_ =	sdelay $0x3  }
0xd3: {  	[tilespmem:s13+$0x17700] =	vst v1  }
0xd4: {  	v1 =	vld.idx.msk [tilespmem:v47+s25+$0x0], $0xffff  }
0xd5: {  	v48 =	vor.u32 $0xD, v0;
	_ =	sdelay $0x3  }
0xd6: {  	[tilespmem:s13+$0x17780] =	vst v1  }
0xd7: {  	v1 =	vld.idx.msk [tilespmem:v48+s25+$0x0], $0xffff  }
0xd8: {  	v49 =	vor.u32 $0xE, v0;
	_ =	sdelay $0x3  }
0xd9: {  	[tilespmem:s13+$0x17800] =	vst v1  }
0xda: {  	v1 =	vld.idx.msk [tilespmem:v49+s25+$0x0], $0xffff  }
0xdb: {  	v0 =	vor.u32 $0xF, v0;
	_ =	sdelay $0x3  }
0xdc: {  	[tilespmem:s13+$0x17880] =	vst v1  }
0xdd: {  	v0 =	vld.idx.msk [tilespmem:v0+s25+$0x0], $0xffff;
	_ =	sdelay $0x4  }
0xde: {  	[tilespmem:s13+$0x17900] =	vst v0  }
0xdf: {  	v0 =	vld [tilespmem:s9+$0x0];
	_ =	sdelay $0x4  }
0xe0: {  	v0 =	vshll.u32 v0, $0x4;
	_ =	sdelay $0x4  }
0xe1: {  	v1 =	vld.idx.msk [tilespmem:v0+s26+$0x0], $0xffff  }
0xe2: {  	v50 =	vor.u32 $0x1, v0;
	_ =	sdelay $0x3  }
0xe3: {  	[tilespmem:s13+$0x18580] =	vst v1  }
0xe4: {  	v1 =	vld.idx.msk [tilespmem:v50+s26+$0x0], $0xffff  }
0xe5: {  	v51 =	vor.u32 $0x2, v0;
	_ =	sdelay $0x3  }
0xe6: {  	[tilespmem:s13+$0x18600] =	vst v1  }
0xe7: {  	v1 =	vld.idx.msk [tilespmem:v51+s26+$0x0], $0xffff  }
0xe8: {  	v52 =	vor.u32 $0x3, v0;
	_ =	sdelay $0x3  }
0xe9: {  	[tilespmem:s13+$0x18680] =	vst v1  }
0xea: {  	v1 =	vld.idx.msk [tilespmem:v52+s26+$0x0], $0xffff  }
0xeb: {  	v53 =	vor.u32 $0x4, v0;
	_ =	sdelay $0x3  }
0xec: {  	[tilespmem:s13+$0x18700] =	vst v1  }
0xed: {  	v1 =	vld.idx.msk [tilespmem:v53+s26+$0x0], $0xffff  }
0xee: {  	v54 =	vor.u32 $0x5, v0;
	_ =	sdelay $0x3  }
0xef: {  	[tilespmem:s13+$0x18780] =	vst v1  }
0xf0: {  	v1 =	vld.idx.msk [tilespmem:v54+s26+$0x0], $0xffff  }
0xf1: {  	v55 =	vor.u32 $0x6, v0;
	_ =	sdelay $0x3  }
0xf2: {  	[tilespmem:s13+$0x18800] =	vst v1  }
0xf3: {  	v1 =	vld.idx.msk [tilespmem:v55+s26+$0x0], $0xffff  }
0xf4: {  	v56 =	vor.u32 $0x7, v0;
	_ =	sdelay $0x3  }
0xf5: {  	[tilespmem:s13+$0x18880] =	vst v1  }
0xf6: {  	v1 =	vld.idx.msk [tilespmem:v56+s26+$0x0], $0xffff  }
0xf7: {  	v57 =	vor.u32 $0x8, v0;
	_ =	sdelay $0x3  }
0xf8: {  	[tilespmem:s13+$0x18900] =	vst v1  }
0xf9: {  	v1 =	vld.idx.msk [tilespmem:v57+s26+$0x0], $0xffff  }
0xfa: {  	v58 =	vor.u32 $0x9, v0;
	_ =	sdelay $0x3  }
0xfb: {  	[tilespmem:s13+$0x19580] =	vst v1  }
0xfc: {  	v1 =	vld.idx.msk [tilespmem:v58+s26+$0x0], $0xffff  }
0xfd: {  	v59 =	vor.u32 $0xA, v0;
	_ =	sdelay $0x3  }
0xfe: {  	[tilespmem:s13+$0x19600] =	vst v1  }
0xff: {  	v1 =	vld.idx.msk [tilespmem:v59+s26+$0x0], $0xffff  }
0x100: {  	v60 =	vor.u32 $0xB, v0;
	_ =	sdelay $0x3  }
0x101: {  	[tilespmem:s13+$0x19680] =	vst v1  }
0x102: {  	v1 =	vld.idx.msk [tilespmem:v60+s26+$0x0], $0xffff  }
0x103: {  	v61 =	vor.u32 $0xC, v0;
	_ =	sdelay $0x3  }
0x104: {  	[tilespmem:s13+$0x19700] =	vst v1  }
0x105: {  	v1 =	vld.idx.msk [tilespmem:v61+s26+$0x0], $0xffff  }
0x106: {  	v62 =	vor.u32 $0xD, v0;
	_ =	sdelay $0x3  }
0x107: {  	[tilespmem:s13+$0x19780] =	vst v1  }
0x108: {  	v1 =	vld.idx.msk [tilespmem:v62+s26+$0x0], $0xffff  }
0x109: {  	v63 =	vor.u32 $0xE, v0;
	_ =	sdelay $0x3  }
0x10a: {  	[tilespmem:s13+$0x19800] =	vst v1  }
0x10b: {  	v1 =	vld.idx.msk [tilespmem:v63+s26+$0x0], $0xffff  }
0x10c: {  	v0 =	vor.u32 $0xF, v0;
	_ =	sdelay $0x3  }
0x10d: {  	[tilespmem:s13+$0x19880] =	vst v1  }
0x10e: {  	p0 =	sne.s32 s11, $0x1F0;
	v0 =	vld.idx.msk [tilespmem:v0+s26+$0x0], $0xffff  }
.Ltmp0:
0x10f: {  	_ = 	snop;
	(pc) =	sbr.rel @p0 .LBB2_2-.Ltmp0, $3  }
0x110: {  	_ =	sdelay $0x1  }
0x111: {  	s6 =	sadd.s32 $0x10, s6;
	s10 =	sadd.s32 $0x80, s10  }
0x112: {  	s11 =	sadd.s32 $0x10, s11;
	s7 =	sadd.s32 $0x10, s7;
	s9 =	sadd.s32 $0x10, s9;
	[tilespmem:s13+$0x19900] =	vst v0  }
0x113: {  	s3 =	sadd.s32 $0x1, s3  }
0x114: {  	s6 =	simm.s32 $0x1000;
	p0 =	sne.s32 s3, s23  }
.Ltmp1:
0x115: {  	s7 =	simm.s32 $0x20000;
	s9 =	simm.s32 $0x14580;
	(pc) =	sbr.rel @p0 .LBB2_1-.Ltmp1, $4  }
0x116: {  	[hbm4b:s22+s6] =	stream.strided.scatter [tilespmem:s9], [sflag:$0x3], $0x6000, s7, s6, $0x38;
	[tilespmem:$0x1A580] =	vst v63  }
0x117: {  	_ =	swait.ge [sflag:s28], $0x6000  }
0x118: {  	[sflag:s28] =	ssyncset.done $0x0  }
0x119: {  	[sflag:s28] =	ssyncadd.s32 $0xFFFFA000  }
0x11a: {  	_ =	sfence.sel $0x180000  }
0x11b: {  	[bflag:$0x0] =	sbarrier.arrive $0xFFFF  }
0x11c: {  	_ =	strace $0x90000047  }
0x11d: {  	s0 =	stileid.u32;
	[bflag:$0x2] =	sbarrier.arrive $0xFFFF  }
0x11e: {  	p0 =	sne.s32 s0, $0x0;
	s0 =	rddreg [dreg:$0x9]  }
0x11f: {  	s0 =	sadd.s32 @!p0 $0x100000, s0  }
0x120: {  	[sflag:s0] =	ssyncadd.tile.s32 @!p0 $0x1;
	_ =	shalt  }
.Lfunc_end2:
_tile_overlayer_lowered:
.L_overlay_start_2:
0x121: {  	(tag) =	ssettag $0x2  }
0x122: {  	s0 =	rddreg [dreg:$0x0];
	s2 =	stileid.u32  }
0x123: {  	s1 =	rddreg [dreg:$0x1];
	p0 =	sne.s32 s2, $0x0  }
0x124: {  	s3 =	rddreg [dreg:$0x2];
	[bflag:$0x3] =	sbarrier.arrive $0xFFFF;
	s2 =	simm.s32 @!p0 $0x1C03  }
0x125: {  	[timem:s3], [sflag:s2] =	dma.local @!p0 [hbm:s0], s1  }
0x126: {  	s0 =	simm.s32 @!p0 $0x3  }
0x127: {  	_ =	swait.ge @!p0 [sflag:s0], s1  }
0x128: {  	s1 =	ssub.s32 @!p0 $0x0, s1;
	[sflag:s0] =	ssyncset.done @!p0 $0x0  }
0x129: {  	[sflag:s0] =	ssyncadd.s32 @!p0 s1  }
0x12a: {  	[bflag:$0x3] =	sbarrier.arrive $0xFFFF  }
0x12b: {  	_ =	shalt  }

</sc_bundles>
